<compile_context>
chip_gen: v7x
topology: tpu7x:2x2x1
jax: 0.10.2.dev20260603
libtpu: 0.0.44.dev20260713+nightly
codegen_flags: <defaults>
</compile_context>

<pallas_src>
import functools

import jax
import jax.numpy as jnp
from jax import lax
from jax.experimental import pallas as pl
from jax.experimental.pallas import tpu as pltpu
from jax.experimental.pallas import tpu_sc as plsc

L = 16
NC = 2
NS = 16
NW = NC * NS

ROWS, COLS = 4096, 8192
RPW = ROWS // NW
BR, BC = 1, 8192
NSLAB = RPW // BR
NCOL = COLS // BC
NCHUNK = NSLAB * NCOL
NPAIR = NCHUNK // 2
NK = 1024
UNROLL = 4


def _body(x_hbm, coeffs_hbm, k0_hbm, invh_hbm, out_hbm,
          coeffs_v, a_v, b_v, k0_v, invh_v, xbuf_a, xbuf_b, obuf_a, obuf_b,
          insem_a, insem_b, outsem_a, outsem_b):
    wid = lax.axis_index("s") * NC + lax.axis_index("c")
    row_base = wid * RPW

    pltpu.async_copy(x_hbm.at[pl.ds(row_base, BR), pl.ds(0, BC)], xbuf_a,
                     insem_a)
    pltpu.async_copy(coeffs_hbm, coeffs_v, outsem_a)
    pltpu.async_copy(k0_hbm, k0_v, outsem_b)
    pltpu.async_copy(invh_hbm, invh_v, insem_b)
    pltpu.make_async_copy(coeffs_hbm, coeffs_v, outsem_a).wait()
    pltpu.make_async_copy(k0_hbm, k0_v, outsem_b).wait()
    pltpu.make_async_copy(invh_hbm, invh_v, insem_b).wait()

    k0 = k0_v[...]
    invh = invh_v[...]
    k0invh = k0 * invh

    @plsc.parallel_loop(0, NK, step=L, unroll=2)
    def _tab(j):
        iv = lax.iota(jnp.int32, L) + j
        c0 = plsc.load_gather(coeffs_v, [iv])
        c1 = plsc.load_gather(coeffs_v, [jnp.minimum(iv + 1, NK - 1)])
        s = c1 - c0
        a_v[pl.ds(j, L)] = c0 - (k0invh + iv.astype(jnp.float32)) * s
        b_v[pl.ds(j, L)] = s * invh

    def compute(xbuf, obuf):
        @plsc.parallel_loop(0, BC, step=L, unroll=UNROLL)
        def _vec(j):
            for r in range(BR):
                xv = xbuf[r, pl.ds(j, L)]
                g = (xv - k0) * invh
                i = jnp.clip(g.astype(jnp.int32), 0, NK - 2)
                av = plsc.load_gather(a_v, [i])
                bv = plsc.load_gather(b_v, [i])
                obuf[r, pl.ds(j, L)] = av + bv * xv

    def in_slice(ci):
        r0 = row_base + (ci // NCOL) * BR
        c0 = (ci % NCOL) * BC
        return x_hbm.at[pl.ds(r0, BR), pl.ds(c0, BC)]

    def out_slice(ci):
        r0 = row_base + (ci // NCOL) * BR
        c0 = (ci % NCOL) * BC
        return out_hbm.at[pl.ds(r0, BR), pl.ds(c0, BC)]

    def pair(k, carry):
        ci0 = 2 * k
        ci1 = 2 * k + 1

        pltpu.async_copy(in_slice(ci1), xbuf_b, insem_b)
        pltpu.make_async_copy(in_slice(ci0), xbuf_a, insem_a).wait()

        @pl.when(k > 0)
        def _():
            pltpu.make_async_copy(obuf_a, out_slice(ci0), outsem_a).wait()

        compute(xbuf_a, obuf_a)
        pltpu.async_copy(obuf_a, out_slice(ci0), outsem_a)

        @pl.when(k + 1 < NPAIR)
        def _():
            pltpu.async_copy(in_slice(ci0 + 2), xbuf_a, insem_a)

        pltpu.make_async_copy(in_slice(ci1), xbuf_b, insem_b).wait()

        @pl.when(k > 0)
        def _():
            pltpu.make_async_copy(obuf_b, out_slice(ci1), outsem_b).wait()

        compute(xbuf_b, obuf_b)
        pltpu.async_copy(obuf_b, out_slice(ci1), outsem_b)
        return carry

    lax.fori_loop(0, NPAIR, pair, 0)

    pltpu.make_async_copy(obuf_a, out_slice(NCHUNK - 2), outsem_a).wait()
    pltpu.make_async_copy(obuf_b, out_slice(NCHUNK - 1), outsem_b).wait()


@functools.partial(
    pl.kernel,
    out_type=jax.ShapeDtypeStruct((ROWS, COLS), jnp.float32),
    mesh=plsc.VectorSubcoreMesh(
        core_axis_name="c", subcore_axis_name="s",
        num_cores=NC, num_subcores=NS),
    compiler_params=pltpu.CompilerParams(needs_layout_passes=False),
    scratch_types=[
        pltpu.VMEM((NK,), jnp.float32),
        pltpu.VMEM((NK,), jnp.float32),
        pltpu.VMEM((NK,), jnp.float32),
        pltpu.VMEM((L,), jnp.float32),
        pltpu.VMEM((L,), jnp.float32),
        pltpu.VMEM((BR, BC), jnp.float32),
        pltpu.VMEM((BR, BC), jnp.float32),
        pltpu.VMEM((BR, BC), jnp.float32),
        pltpu.VMEM((BR, BC), jnp.float32),
        pltpu.SemaphoreType.DMA,
        pltpu.SemaphoreType.DMA,
        pltpu.SemaphoreType.DMA,
        pltpu.SemaphoreType.DMA,
    ],
)
def _spline_sc(*refs):
    _body(*refs)


def kernel(x, coeffs, knots):
    k0 = knots[0]
    invh = (NK - 1) / (knots[-1] - k0)
    k0s = jnp.full((L,), k0, jnp.float32)
    invhs = jnp.full((L,), invh, jnp.float32)
    return _spline_sc(x, coeffs, k0s, invhs)

# --- scband reference (transcript-rebuilt; emitter-appended) ---
"""Pipeline reference for scband-simple-spline-44598940401671 (READ-ONLY COPY).

The authoritative reference and input builder live on the scoring server;
editing this copy changes nothing except your own understanding.
"""

import jax, jax.numpy as jnp
import numpy as np

NUM_KNOTS = 1024
IN_MIN, IN_MAX = -3.0, 3.0
SPLINE_ORDER = 1  # CONFIG['spline_order'] assumed 1 (piecewise linear)
NUM_COEFFS = NUM_KNOTS + SPLINE_ORDER - 1  # = 1024


def setup_inputs(seed: int = 0) -> dict:
    key = jax.random.key(seed)
    k_x, k_c = jax.random.split(key)
    x = jax.random.normal(k_x, (4096, 8192), dtype=jnp.float32)
    # learned spline coefficients (nn.Parameter); init small random instead of zeros
    coeffs = jax.random.normal(k_c, (NUM_COEFFS,), dtype=jnp.float32) * 0.1
    # knots buffer: linspace over the domain
    knots = jnp.linspace(IN_MIN, IN_MAX, NUM_KNOTS, dtype=jnp.float32)
    return {"x": x, "coeffs": coeffs, "knots": knots}


def reference(x, coeffs, knots):
    # Faithful translation of SimpleSpline._evaluate_spline_raw for spline_order == 1
    # (non-monotonic, train_codomain=False => get_coeffs() returns coeffs directly),
    # with linear extrapolation outside the domain using the boundary slopes.
    n_knots = knots.shape[0]
    x_clamped = jnp.clip(x, knots[0], knots[-1])
    below_domain = x < knots[0]
    above_domain = x > knots[-1]
    knot_spacing = (knots[-1] - knots[0]) / (n_knots - 1)
    grid_x = (x_clamped - knots[0]) / knot_spacing
    idx = jnp.floor(grid_x).astype(jnp.int32)
    idx = jnp.clip(idx, 0, n_knots - 2)
    t = grid_x - idx.astype(x.dtype)
    c0 = jnp.take(coeffs, idx)          # gather
    c1 = jnp.take(coeffs, idx + 1)      # gather
    interpolated = (1.0 - t) * c0 + t * c1
    left_slope = (coeffs[1] - coeffs[0]) / knot_spacing
    right_slope = (coeffs[-1] - coeffs[-2]) / knot_spacing
    out = jnp.where(below_domain, coeffs[0] + left_slope * (x - knots[0]), interpolated)
    out = jnp.where(above_domain, coeffs[-1] + right_slope * (x - knots[-1]), out)
    return out

if __name__ == "__main__":
    import jax
    _d = setup_inputs()
    print(jax.jit(kernel)(*tuple(_d.values())))

</pallas_src>

<mosaic_0001>
#map = affine_map<(d0, d1) -> (0, 0)>
#map1 = affine_map<(d0, d1) -> (0)>
module attributes {stable_mosaic.version = 14 : i64} {
  func.func @_spline_sc(%arg0: i32, %arg1: i32, %arg2: memref<4096x8192xf32, #tpu.memory_space<hbm>>, %arg3: memref<1024xf32, #tpu.memory_space<hbm>>, %arg4: memref<16xf32, #tpu.memory_space<hbm>>, %arg5: memref<16xf32, #tpu.memory_space<hbm>>, %arg6: memref<4096x8192xf32, #tpu.memory_space<hbm>>, %arg7: memref<1024xf32, #tpu.memory_space<vmem>>, %arg8: memref<1024xf32, #tpu.memory_space<vmem>>, %arg9: memref<1024xf32, #tpu.memory_space<vmem>>, %arg10: memref<16xf32, #tpu.memory_space<vmem>>, %arg11: memref<16xf32, #tpu.memory_space<vmem>>, %arg12: memref<1x8192xf32, #tpu.memory_space<vmem>>, %arg13: memref<1x8192xf32, #tpu.memory_space<vmem>>, %arg14: memref<1x8192xf32, #tpu.memory_space<vmem>>, %arg15: memref<1x8192xf32, #tpu.memory_space<vmem>>, %arg16: memref<!tpu.dma_semaphore, #tpu.memory_space<semaphore_mem>>, %arg17: memref<!tpu.dma_semaphore, #tpu.memory_space<semaphore_mem>>, %arg18: memref<!tpu.dma_semaphore, #tpu.memory_space<semaphore_mem>>, %arg19: memref<!tpu.dma_semaphore, #tpu.memory_space<semaphore_mem>>) attributes {dimension_semantics = [#tpu.dimension_semantics<core_parallel>, #tpu.dimension_semantics<subcore_parallel>], iteration_bounds = array<i64: 2, 16>, scalar_prefetch = 0 : i64, scratch_operands = 13 : i64, tpu.core_type = #tpu.core_type<sc_vector_subcore>, window_params = [{transform_indices = #map}, {transform_indices = #map1}, {transform_indices = #map1}, {transform_indices = #map1}, {transform_indices = #map}]} {
    %mul3A = arith.constant 2 : i32
    %mul3A_0 = arith.muli %arg1, %mul3A : i32
    %add3A = arith.addi %mul3A_0, %arg0 : i32
    %mul3A_1 = arith.constant 128 : i32
    %mul3A_2 = arith.muli %add3A, %mul3A_1 : i32
    %dma_start3A = arith.constant 0 : i32
    %dma_start3A_3 = tpu.memref_slice %arg2[%mul3A_2, %dma_start3A] : memref<4096x8192xf32, #tpu.memory_space<hbm>> -> memref<1x8192xf32, #tpu.memory_space<hbm>>
    %dma_start3A_4 = arith.constant 0 : i32
    %dma_start3A_5 = tpu.memref_slice %arg2[%mul3A_2, %dma_start3A_4] : memref<4096x8192xf32, #tpu.memory_space<hbm>> -> memref<1x8192xf32, #tpu.memory_space<hbm>>
    tpu.enqueue_dma source(%dma_start3A_5 : memref<1x8192xf32, #tpu.memory_space<hbm>>) target(%arg12 : memref<1x8192xf32, #tpu.memory_space<vmem>>) target_semaphore(%arg16 : memref<!tpu.dma_semaphore, #tpu.memory_space<semaphore_mem>>)
    tpu.enqueue_dma source(%arg3 : memref<1024xf32, #tpu.memory_space<hbm>>) target(%arg7 : memref<1024xf32, #tpu.memory_space<vmem>>) target_semaphore(%arg18 : memref<!tpu.dma_semaphore, #tpu.memory_space<semaphore_mem>>)
    tpu.enqueue_dma source(%arg4 : memref<16xf32, #tpu.memory_space<hbm>>) target(%arg10 : memref<16xf32, #tpu.memory_space<vmem>>) target_semaphore(%arg19 : memref<!tpu.dma_semaphore, #tpu.memory_space<semaphore_mem>>)
    tpu.enqueue_dma source(%arg5 : memref<16xf32, #tpu.memory_space<hbm>>) target(%arg11 : memref<16xf32, #tpu.memory_space<vmem>>) target_semaphore(%arg17 : memref<!tpu.dma_semaphore, #tpu.memory_space<semaphore_mem>>)
    tpu.wait_dma2 semaphore(%arg18 : memref<!tpu.dma_semaphore, #tpu.memory_space<semaphore_mem>>) src(%arg3 : memref<1024xf32, #tpu.memory_space<hbm>>) dst(%arg7 : memref<1024xf32, #tpu.memory_space<vmem>>)
    tpu.wait_dma2 semaphore(%arg19 : memref<!tpu.dma_semaphore, #tpu.memory_space<semaphore_mem>>) src(%arg4 : memref<16xf32, #tpu.memory_space<hbm>>) dst(%arg10 : memref<16xf32, #tpu.memory_space<vmem>>)
    tpu.wait_dma2 semaphore(%arg17 : memref<!tpu.dma_semaphore, #tpu.memory_space<semaphore_mem>>) src(%arg5 : memref<16xf32, #tpu.memory_space<hbm>>) dst(%arg11 : memref<16xf32, #tpu.memory_space<vmem>>)
    %get3A = arith.constant 0 : index
    %get3A_6 = tpu.vector_load %arg10[%get3A] {strides = array<i32>} : memref<16xf32, #tpu.memory_space<vmem>>, vector<16xf32>,
    %get3A_7 = arith.constant 0 : index
    %get3A_8 = tpu.vector_load %arg11[%get3A_7] {strides = array<i32>} : memref<16xf32, #tpu.memory_space<vmem>>, vector<16xf32>,
    %mul3A_9 = arith.mulf %get3A_6, %get3A_8 : vector<16xf32>
    %parallel_loop3A = arith.constant 0 : i32
    %parallel_loop3A_10 = arith.constant 1024 : i32
    %parallel_loop3A_11 = arith.constant 16 : i32
    scf.for %parallel_loop3A_28 = %parallel_loop3A to %parallel_loop3A_10 step %parallel_loop3A_11  : i32 {
      %parallel_loop3A_29 = tpu.iota {dimensions = array<i32: 0>} : vector<16xi32>
      %parallel_loop3A_30 = vector.broadcast %parallel_loop3A_28 : i32 to vector<16xi32>
      %parallel_loop3A_31 = arith.addi %parallel_loop3A_29, %parallel_loop3A_30 : vector<16xi32>
      %parallel_loop3A_32 = tpu.vector_load_idx %arg7[%parallel_loop3A_31] : memref<1024xf32, #tpu.memory_space<vmem>>[vector<16xi32>], vector<16xf32>,
      %parallel_loop3A_33 = arith.constant 1 : i32
      %parallel_loop3A_34 = vector.broadcast %parallel_loop3A_33 : i32 to vector<16xi32>
      %parallel_loop3A_35 = arith.addi %parallel_loop3A_31, %parallel_loop3A_34 : vector<16xi32>
      %parallel_loop3A_36 = arith.constant 1023 : i32
      %parallel_loop3A_37 = vector.broadcast %parallel_loop3A_36 : i32 to vector<16xi32>
      %parallel_loop3A_38 = arith.minsi %parallel_loop3A_35, %parallel_loop3A_37 : vector<16xi32>
      %parallel_loop3A_39 = tpu.vector_load_idx %arg7[%parallel_loop3A_38] : memref<1024xf32, #tpu.memory_space<vmem>>[vector<16xi32>], vector<16xf32>,
      %parallel_loop3A_40 = arith.subf %parallel_loop3A_39, %parallel_loop3A_32 : vector<16xf32>
      %parallel_loop3A_41 = arith.sitofp %parallel_loop3A_31 : vector<16xi32> to vector<16xf32>
      %parallel_loop3A_42 = arith.addf %mul3A_9, %parallel_loop3A_41 : vector<16xf32>
      %parallel_loop3A_43 = arith.mulf %parallel_loop3A_42, %parallel_loop3A_40 : vector<16xf32>
      %parallel_loop3A_44 = arith.subf %parallel_loop3A_32, %parallel_loop3A_43 : vector<16xf32>
      %parallel_loop3A_45 = arith.index_cast %parallel_loop3A_28 : i32 to index
      %parallel_loop3A_46 = tpu.vector_load %arg8[%parallel_loop3A_45] {strides = array<i32>} : memref<1024xf32, #tpu.memory_space<vmem>>, vector<16xf32>,
      tpu.vector_store %arg8[%parallel_loop3A_45], %parallel_loop3A_44 {strides = array<i32>} : memref<1024xf32, #tpu.memory_space<vmem>>, vector<16xf32>,
      %parallel_loop3A_47 = arith.mulf %parallel_loop3A_40, %get3A_8 : vector<16xf32>
      %parallel_loop3A_48 = arith.index_cast %parallel_loop3A_28 : i32 to index
      %parallel_loop3A_49 = tpu.vector_load %arg9[%parallel_loop3A_48] {strides = array<i32>} : memref<1024xf32, #tpu.memory_space<vmem>>, vector<16xf32>,
      tpu.vector_store %arg9[%parallel_loop3A_48], %parallel_loop3A_47 {strides = array<i32>} : memref<1024xf32, #tpu.memory_space<vmem>>, vector<16xf32>,
    } {sc.loop_unroll_factor = 2 : i64, sc.parallel_access}
    %scan3A = arith.constant 0 : i32
    %scan3A_12 = arith.constant 0 : i32
    %scan3A_13 = arith.constant 64 : i32
    %scan3A_14 = arith.addi %scan3A_12, %scan3A_13 : i32
    %scan3A_15 = arith.constant 1 : i32
    scf.for %scan3A_28 = %scan3A_12 to %scan3A_14 step %scan3A_15  : i32 {
      %mul3A_29 = arith.constant 2 : i32
      %mul3A_30 = arith.muli %mul3A_29, %scan3A_28 : i32
      %mul3A_31 = arith.constant 2 : i32
      %mul3A_32 = arith.muli %mul3A_31, %scan3A_28 : i32
      %add3A_33 = arith.constant 1 : i32
      %add3A_34 = arith.addi %mul3A_32, %add3A_33 : i32
      %jit3A = arith.constant 1 : i32
      %div3A = arith.divsi %add3A_34, %jit3A : i32
      %sign3A = arith.constant 0 : i32
      %sign3A_35 = arith.cmpi sgt, %add3A_34, %sign3A : i32
      %sign3A_36 = arith.extui %sign3A_35 : i1 to i32
      %sign3A_37 = arith.constant 0 : i32
      %sign3A_38 = arith.cmpi slt, %add3A_34, %sign3A_37 : i32
      %sign3A_39 = arith.extui %sign3A_38 : i1 to i32
      %sign3A_40 = arith.subi %sign3A_36, %sign3A_39 : i32
      %sign3A_41 = arith.constant 0 : i32
      %sign3A_42 = arith.cmpi sgt, %jit3A, %sign3A_41 : i32
      %sign3A_43 = arith.extui %sign3A_42 : i1 to i32
      %sign3A_44 = arith.constant 0 : i32
      %sign3A_45 = arith.cmpi slt, %jit3A, %sign3A_44 : i32
      %sign3A_46 = arith.extui %sign3A_45 : i1 to i32
      %sign3A_47 = arith.subi %sign3A_43, %sign3A_46 : i32
      %ne3A = arith.cmpi ne, %sign3A_40, %sign3A_47 : i32
      %rem3A = arith.remsi %add3A_34, %jit3A : i32
      %ne3A_48 = arith.constant 0 : i32
      %ne3A_49 = arith.cmpi ne, %rem3A, %ne3A_48 : i32
      %and3A = arith.andi %ne3A, %ne3A_49 : i1
      %sub3A = arith.constant 1 : i32
      %sub3A_50 = arith.subi %div3A, %sub3A : i32
      %select_n3A = arith.select %and3A, %sub3A_50, %div3A : i32
      %mul3A_51 = arith.constant 1 : i32
      %mul3A_52 = arith.muli %select_n3A, %mul3A_51 : i32
      %add3A_53 = arith.addi %mul3A_2, %mul3A_52 : i32
      %jit3A_54 = arith.constant 1 : i32
      %eq3A = arith.constant 0 : i32
      %eq3A_55 = arith.cmpi eq, %jit3A_54, %eq3A : i32
      %jit3A_56 = arith.constant 1 : i32
      %select_n3A_57 = arith.select %eq3A_55, %jit3A_56, %jit3A_54 : i32
      %rem3A_58 = arith.remsi %add3A_34, %select_n3A_57 : i32
      %ne3A_59 = arith.constant 0 : i32
      %ne3A_60 = arith.cmpi ne, %rem3A_58, %ne3A_59 : i32
      %lt3A = arith.constant 0 : i32
      %lt3A_61 = arith.cmpi slt, %rem3A_58, %lt3A : i32
      %lt3A_62 = arith.constant 0 : i32
      %lt3A_63 = arith.cmpi slt, %select_n3A_57, %lt3A_62 : i32
      %ne3A_64 = arith.xori %lt3A_61, %lt3A_63 : i1
      %and3A_65 = arith.andi %ne3A_64, %ne3A_60 : i1
      %add3A_66 = arith.addi %rem3A_58, %select_n3A_57 : i32
      %select_n3A_67 = arith.select %and3A_65, %add3A_66, %rem3A_58 : i32
      %mul3A_68 = arith.constant 8192 : i32
      %mul3A_69 = arith.muli %select_n3A_67, %mul3A_68 : i32
      %dma_start3A_70 = tpu.memref_slice %arg2[%add3A_53, %mul3A_69] : memref<4096x8192xf32, #tpu.memory_space<hbm>> -> memref<1x8192xf32, #tpu.memory_space<hbm>>
      %dma_start3A_71 = tpu.memref_slice %arg2[%add3A_53, %mul3A_69] : memref<4096x8192xf32, #tpu.memory_space<hbm>> -> memref<1x8192xf32, #tpu.memory_space<hbm>>
      tpu.enqueue_dma source(%dma_start3A_71 : memref<1x8192xf32, #tpu.memory_space<hbm>>) target(%arg13 : memref<1x8192xf32, #tpu.memory_space<vmem>>) target_semaphore(%arg17 : memref<!tpu.dma_semaphore, #tpu.memory_space<semaphore_mem>>)
      %jit3A_72 = arith.constant 1 : i32
      %div3A_73 = arith.divsi %mul3A_30, %jit3A_72 : i32
      %sign3A_74 = arith.constant 0 : i32
      %sign3A_75 = arith.cmpi sgt, %mul3A_30, %sign3A_74 : i32
      %sign3A_76 = arith.extui %sign3A_75 : i1 to i32
      %sign3A_77 = arith.constant 0 : i32
      %sign3A_78 = arith.cmpi slt, %mul3A_30, %sign3A_77 : i32
      %sign3A_79 = arith.extui %sign3A_78 : i1 to i32
      %sign3A_80 = arith.subi %sign3A_76, %sign3A_79 : i32
      %sign3A_81 = arith.constant 0 : i32
      %sign3A_82 = arith.cmpi sgt, %jit3A_72, %sign3A_81 : i32
      %sign3A_83 = arith.extui %sign3A_82 : i1 to i32
      %sign3A_84 = arith.constant 0 : i32
      %sign3A_85 = arith.cmpi slt, %jit3A_72, %sign3A_84 : i32
      %sign3A_86 = arith.extui %sign3A_85 : i1 to i32
      %sign3A_87 = arith.subi %sign3A_83, %sign3A_86 : i32
      %ne3A_88 = arith.cmpi ne, %sign3A_80, %sign3A_87 : i32
      %rem3A_89 = arith.remsi %mul3A_30, %jit3A_72 : i32
      %ne3A_90 = arith.constant 0 : i32
      %ne3A_91 = arith.cmpi ne, %rem3A_89, %ne3A_90 : i32
      %and3A_92 = arith.andi %ne3A_88, %ne3A_91 : i1
      %sub3A_93 = arith.constant 1 : i32
      %sub3A_94 = arith.subi %div3A_73, %sub3A_93 : i32
      %select_n3A_95 = arith.select %and3A_92, %sub3A_94, %div3A_73 : i32
      %mul3A_96 = arith.constant 1 : i32
      %mul3A_97 = arith.muli %select_n3A_95, %mul3A_96 : i32
      %add3A_98 = arith.addi %mul3A_2, %mul3A_97 : i32
      %jit3A_99 = arith.constant 1 : i32
      %eq3A_100 = arith.constant 0 : i32
      %eq3A_101 = arith.cmpi eq, %jit3A_99, %eq3A_100 : i32
      %jit3A_102 = arith.constant 1 : i32
      %select_n3A_103 = arith.select %eq3A_101, %jit3A_102, %jit3A_99 : i32
      %rem3A_104 = arith.remsi %mul3A_30, %select_n3A_103 : i32
      %ne3A_105 = arith.constant 0 : i32
      %ne3A_106 = arith.cmpi ne, %rem3A_104, %ne3A_105 : i32
      %lt3A_107 = arith.constant 0 : i32
      %lt3A_108 = arith.cmpi slt, %rem3A_104, %lt3A_107 : i32
      %lt3A_109 = arith.constant 0 : i32
      %lt3A_110 = arith.cmpi slt, %select_n3A_103, %lt3A_109 : i32
      %ne3A_111 = arith.xori %lt3A_108, %lt3A_110 : i1
      %and3A_112 = arith.andi %ne3A_111, %ne3A_106 : i1
      %add3A_113 = arith.addi %rem3A_104, %select_n3A_103 : i32
      %select_n3A_114 = arith.select %and3A_112, %add3A_113, %rem3A_104 : i32
      %mul3A_115 = arith.constant 8192 : i32
      %mul3A_116 = arith.muli %select_n3A_114, %mul3A_115 : i32
      %dma_wait3A_117 = tpu.memref_slice %arg2[%add3A_98, %mul3A_116] : memref<4096x8192xf32, #tpu.memory_space<hbm>> -> memref<1x8192xf32, #tpu.memory_space<hbm>>
      %dma_wait3A_118 = tpu.memref_slice %arg2[%add3A_98, %mul3A_116] : memref<4096x8192xf32, #tpu.memory_space<hbm>> -> memref<1x8192xf32, #tpu.memory_space<hbm>>
      tpu.wait_dma2 semaphore(%arg16 : memref<!tpu.dma_semaphore, #tpu.memory_space<semaphore_mem>>) src(%dma_wait3A_118 : memref<1x8192xf32, #tpu.memory_space<hbm>>) dst(%arg12 : memref<1x8192xf32, #tpu.memory_space<vmem>>)
      %gt3A = arith.constant 0 : i32
      %gt3A_119 = arith.cmpi sgt, %scan3A_28, %gt3A : i32
      %convert_element_type3A = arith.extui %gt3A_119 : i1 to i32
      %cond3A = arith.constant 0 : i32
      %cond3A_120 = arith.cmpi ne, %convert_element_type3A, %cond3A : i32
      scf.if %cond3A_120 {
        %jit3A_280 = arith.constant 1 : i32
        %div3A_281 = arith.divsi %mul3A_30, %jit3A_280 : i32
        %sign3A_282 = arith.constant 0 : i32
        %sign3A_283 = arith.cmpi sgt, %mul3A_30, %sign3A_282 : i32
        %sign3A_284 = arith.extui %sign3A_283 : i1 to i32
        %sign3A_285 = arith.constant 0 : i32
        %sign3A_286 = arith.cmpi slt, %mul3A_30, %sign3A_285 : i32
        %sign3A_287 = arith.extui %sign3A_286 : i1 to i32
        %sign3A_288 = arith.subi %sign3A_284, %sign3A_287 : i32
        %sign3A_289 = arith.constant 0 : i32
        %sign3A_290 = arith.cmpi sgt, %jit3A_280, %sign3A_289 : i32
        %sign3A_291 = arith.extui %sign3A_290 : i1 to i32
        %sign3A_292 = arith.constant 0 : i32
        %sign3A_293 = arith.cmpi slt, %jit3A_280, %sign3A_292 : i32
        %sign3A_294 = arith.extui %sign3A_293 : i1 to i32
        %sign3A_295 = arith.subi %sign3A_291, %sign3A_294 : i32
        %ne3A_296 = arith.cmpi ne, %sign3A_288, %sign3A_295 : i32
        %rem3A_297 = arith.remsi %mul3A_30, %jit3A_280 : i32
        %ne3A_298 = arith.constant 0 : i32
        %ne3A_299 = arith.cmpi ne, %rem3A_297, %ne3A_298 : i32
        %and3A_300 = arith.andi %ne3A_296, %ne3A_299 : i1
        %sub3A_301 = arith.constant 1 : i32
        %sub3A_302 = arith.subi %div3A_281, %sub3A_301 : i32
        %select_n3A_303 = arith.select %and3A_300, %sub3A_302, %div3A_281 : i32
        %mul3A_304 = arith.constant 1 : i32
        %mul3A_305 = arith.muli %select_n3A_303, %mul3A_304 : i32
        %add3A_306 = arith.addi %mul3A_2, %mul3A_305 : i32
        %jit3A_307 = arith.constant 1 : i32
        %eq3A_308 = arith.constant 0 : i32
        %eq3A_309 = arith.cmpi eq, %jit3A_307, %eq3A_308 : i32
        %jit3A_310 = arith.constant 1 : i32
        %select_n3A_311 = arith.select %eq3A_309, %jit3A_310, %jit3A_307 : i32
        %rem3A_312 = arith.remsi %mul3A_30, %select_n3A_311 : i32
        %ne3A_313 = arith.constant 0 : i32
        %ne3A_314 = arith.cmpi ne, %rem3A_312, %ne3A_313 : i32
        %lt3A_315 = arith.constant 0 : i32
        %lt3A_316 = arith.cmpi slt, %rem3A_312, %lt3A_315 : i32
        %lt3A_317 = arith.constant 0 : i32
        %lt3A_318 = arith.cmpi slt, %select_n3A_311, %lt3A_317 : i32
        %ne3A_319 = arith.xori %lt3A_316, %lt3A_318 : i1
        %and3A_320 = arith.andi %ne3A_319, %ne3A_314 : i1
        %add3A_321 = arith.addi %rem3A_312, %select_n3A_311 : i32
        %select_n3A_322 = arith.select %and3A_320, %add3A_321, %rem3A_312 : i32
        %mul3A_323 = arith.constant 8192 : i32
        %mul3A_324 = arith.muli %select_n3A_322, %mul3A_323 : i32
        %dma_wait3A_325 = tpu.memref_slice %arg6[%add3A_306, %mul3A_324] : memref<4096x8192xf32, #tpu.memory_space<hbm>> -> memref<1x8192xf32, #tpu.memory_space<hbm>>
        %dma_wait3A_326 = tpu.memref_slice %arg6[%add3A_306, %mul3A_324] : memref<4096x8192xf32, #tpu.memory_space<hbm>> -> memref<1x8192xf32, #tpu.memory_space<hbm>>
        tpu.wait_dma2 semaphore(%arg18 : memref<!tpu.dma_semaphore, #tpu.memory_space<semaphore_mem>>) src(%arg14 : memref<1x8192xf32, #tpu.memory_space<vmem>>) dst(%dma_wait3A_326 : memref<1x8192xf32, #tpu.memory_space<hbm>>)
      } else {
      }
      %parallel_loop3A_121 = arith.constant 0 : i32
      %parallel_loop3A_122 = arith.constant 8192 : i32
      %parallel_loop3A_123 = arith.constant 16 : i32
      scf.for %parallel_loop3A_280 = %parallel_loop3A_121 to %parallel_loop3A_122 step %parallel_loop3A_123  : i32 {
        %parallel_loop3A_281 = arith.constant 0 : i32
        %parallel_loop3A_282 = arith.index_cast %parallel_loop3A_281 : i32 to index
        %parallel_loop3A_283 = arith.index_cast %parallel_loop3A_280 : i32 to index
        %parallel_loop3A_284 = tpu.vector_load %arg12[%parallel_loop3A_282, %parallel_loop3A_283] {strides = array<i32>} : memref<1x8192xf32, #tpu.memory_space<vmem>>, vector<16xf32>,
        %parallel_loop3A_285 = arith.subf %parallel_loop3A_284, %get3A_6 : vector<16xf32>
        %parallel_loop3A_286 = arith.mulf %parallel_loop3A_285, %get3A_8 : vector<16xf32>
        %parallel_loop3A_287 = arith.fptosi %parallel_loop3A_286 : vector<16xf32> to vector<16xi32>
        %parallel_loop3A_288 = arith.constant 0 : i32
        %parallel_loop3A_289 = arith.constant 1022 : i32
        %parallel_loop3A_290 = vector.broadcast %parallel_loop3A_288 : i32 to vector<16xi32>
        %parallel_loop3A_291 = arith.maxsi %parallel_loop3A_290, %parallel_loop3A_287 : vector<16xi32>
        %parallel_loop3A_292 = vector.broadcast %parallel_loop3A_289 : i32 to vector<16xi32>
        %parallel_loop3A_293 = arith.minsi %parallel_loop3A_292, %parallel_loop3A_291 : vector<16xi32>
        %parallel_loop3A_294 = tpu.vector_load_idx %arg8[%parallel_loop3A_293] : memref<1024xf32, #tpu.memory_space<vmem>>[vector<16xi32>], vector<16xf32>,
        %parallel_loop3A_295 = tpu.vector_load_idx %arg9[%parallel_loop3A_293] : memref<1024xf32, #tpu.memory_space<vmem>>[vector<16xi32>], vector<16xf32>,
        %parallel_loop3A_296 = arith.mulf %parallel_loop3A_295, %parallel_loop3A_284 : vector<16xf32>
        %parallel_loop3A_297 = arith.addf %parallel_loop3A_294, %parallel_loop3A_296 : vector<16xf32>
        %parallel_loop3A_298 = arith.constant 0 : i32
        %parallel_loop3A_299 = arith.index_cast %parallel_loop3A_298 : i32 to index
        %parallel_loop3A_300 = arith.index_cast %parallel_loop3A_280 : i32 to index
        %parallel_loop3A_301 = tpu.vector_load %arg14[%parallel_loop3A_299, %parallel_loop3A_300] {strides = array<i32>} : memref<1x8192xf32, #tpu.memory_space<vmem>>, vector<16xf32>,
        tpu.vector_store %arg14[%parallel_loop3A_299, %parallel_loop3A_300], %parallel_loop3A_297 {strides = array<i32>} : memref<1x8192xf32, #tpu.memory_space<vmem>>, vector<16xf32>,
      } {sc.loop_unroll_factor = 4 : i64, sc.parallel_access}
      %jit3A_124 = arith.constant 1 : i32
      %div3A_125 = arith.divsi %mul3A_30, %jit3A_124 : i32
      %sign3A_126 = arith.constant 0 : i32
      %sign3A_127 = arith.cmpi sgt, %mul3A_30, %sign3A_126 : i32
      %sign3A_128 = arith.extui %sign3A_127 : i1 to i32
      %sign3A_129 = arith.constant 0 : i32
      %sign3A_130 = arith.cmpi slt, %mul3A_30, %sign3A_129 : i32
      %sign3A_131 = arith.extui %sign3A_130 : i1 to i32
      %sign3A_132 = arith.subi %sign3A_128, %sign3A_131 : i32
      %sign3A_133 = arith.constant 0 : i32
      %sign3A_134 = arith.cmpi sgt, %jit3A_124, %sign3A_133 : i32
      %sign3A_135 = arith.extui %sign3A_134 : i1 to i32
      %sign3A_136 = arith.constant 0 : i32
      %sign3A_137 = arith.cmpi slt, %jit3A_124, %sign3A_136 : i32
      %sign3A_138 = arith.extui %sign3A_137 : i1 to i32
      %sign3A_139 = arith.subi %sign3A_135, %sign3A_138 : i32
      %ne3A_140 = arith.cmpi ne, %sign3A_132, %sign3A_139 : i32
      %rem3A_141 = arith.remsi %mul3A_30, %jit3A_124 : i32
      %ne3A_142 = arith.constant 0 : i32
      %ne3A_143 = arith.cmpi ne, %rem3A_141, %ne3A_142 : i32
      %and3A_144 = arith.andi %ne3A_140, %ne3A_143 : i1
      %sub3A_145 = arith.constant 1 : i32
      %sub3A_146 = arith.subi %div3A_125, %sub3A_145 : i32
      %select_n3A_147 = arith.select %and3A_144, %sub3A_146, %div3A_125 : i32
      %mul3A_148 = arith.constant 1 : i32
      %mul3A_149 = arith.muli %select_n3A_147, %mul3A_148 : i32
      %add3A_150 = arith.addi %mul3A_2, %mul3A_149 : i32
      %jit3A_151 = arith.constant 1 : i32
      %eq3A_152 = arith.constant 0 : i32
      %eq3A_153 = arith.cmpi eq, %jit3A_151, %eq3A_152 : i32
      %jit3A_154 = arith.constant 1 : i32
      %select_n3A_155 = arith.select %eq3A_153, %jit3A_154, %jit3A_151 : i32
      %rem3A_156 = arith.remsi %mul3A_30, %select_n3A_155 : i32
      %ne3A_157 = arith.constant 0 : i32
      %ne3A_158 = arith.cmpi ne, %rem3A_156, %ne3A_157 : i32
      %lt3A_159 = arith.constant 0 : i32
      %lt3A_160 = arith.cmpi slt, %rem3A_156, %lt3A_159 : i32
      %lt3A_161 = arith.constant 0 : i32
      %lt3A_162 = arith.cmpi slt, %select_n3A_155, %lt3A_161 : i32
      %ne3A_163 = arith.xori %lt3A_160, %lt3A_162 : i1
      %and3A_164 = arith.andi %ne3A_163, %ne3A_158 : i1
      %add3A_165 = arith.addi %rem3A_156, %select_n3A_155 : i32
      %select_n3A_166 = arith.select %and3A_164, %add3A_165, %rem3A_156 : i32
      %mul3A_167 = arith.constant 8192 : i32
      %mul3A_168 = arith.muli %select_n3A_166, %mul3A_167 : i32
      %dma_start3A_169 = tpu.memref_slice %arg6[%add3A_150, %mul3A_168] : memref<4096x8192xf32, #tpu.memory_space<hbm>> -> memref<1x8192xf32, #tpu.memory_space<hbm>>
      %dma_start3A_170 = tpu.memref_slice %arg6[%add3A_150, %mul3A_168] : memref<4096x8192xf32, #tpu.memory_space<hbm>> -> memref<1x8192xf32, #tpu.memory_space<hbm>>
      tpu.enqueue_dma source(%arg14 : memref<1x8192xf32, #tpu.memory_space<vmem>>) target(%dma_start3A_170 : memref<1x8192xf32, #tpu.memory_space<hbm>>) target_semaphore(%arg18 : memref<!tpu.dma_semaphore, #tpu.memory_space<semaphore_mem>>)
      %add3A_171 = arith.constant 1 : i32
      %add3A_172 = arith.addi %scan3A_28, %add3A_171 : i32
      %lt3A_173 = arith.constant 64 : i32
      %lt3A_174 = arith.cmpi slt, %add3A_172, %lt3A_173 : i32
      %convert_element_type3A_175 = arith.extui %lt3A_174 : i1 to i32
      %cond3A_176 = arith.constant 0 : i32
      %cond3A_177 = arith.cmpi ne, %convert_element_type3A_175, %cond3A_176 : i32
      scf.if %cond3A_177 {
        %add3A_280 = arith.constant 2 : i32
        %add3A_281 = arith.addi %mul3A_30, %add3A_280 : i32
        %jit3A_282 = arith.constant 1 : i32
        %div3A_283 = arith.divsi %add3A_281, %jit3A_282 : i32
        %sign3A_284 = arith.constant 0 : i32
        %sign3A_285 = arith.cmpi sgt, %add3A_281, %sign3A_284 : i32
        %sign3A_286 = arith.extui %sign3A_285 : i1 to i32
        %sign3A_287 = arith.constant 0 : i32
        %sign3A_288 = arith.cmpi slt, %add3A_281, %sign3A_287 : i32
        %sign3A_289 = arith.extui %sign3A_288 : i1 to i32
        %sign3A_290 = arith.subi %sign3A_286, %sign3A_289 : i32
        %sign3A_291 = arith.constant 0 : i32
        %sign3A_292 = arith.cmpi sgt, %jit3A_282, %sign3A_291 : i32
        %sign3A_293 = arith.extui %sign3A_292 : i1 to i32
        %sign3A_294 = arith.constant 0 : i32
        %sign3A_295 = arith.cmpi slt, %jit3A_282, %sign3A_294 : i32
        %sign3A_296 = arith.extui %sign3A_295 : i1 to i32
        %sign3A_297 = arith.subi %sign3A_293, %sign3A_296 : i32
        %ne3A_298 = arith.cmpi ne, %sign3A_290, %sign3A_297 : i32
        %rem3A_299 = arith.remsi %add3A_281, %jit3A_282 : i32
        %ne3A_300 = arith.constant 0 : i32
        %ne3A_301 = arith.cmpi ne, %rem3A_299, %ne3A_300 : i32
        %and3A_302 = arith.andi %ne3A_298, %ne3A_301 : i1
        %sub3A_303 = arith.constant 1 : i32
        %sub3A_304 = arith.subi %div3A_283, %sub3A_303 : i32
        %select_n3A_305 = arith.select %and3A_302, %sub3A_304, %div3A_283 : i32
        %mul3A_306 = arith.constant 1 : i32
        %mul3A_307 = arith.muli %select_n3A_305, %mul3A_306 : i32
        %add3A_308 = arith.addi %mul3A_2, %mul3A_307 : i32
        %jit3A_309 = arith.constant 1 : i32
        %eq3A_310 = arith.constant 0 : i32
        %eq3A_311 = arith.cmpi eq, %jit3A_309, %eq3A_310 : i32
        %jit3A_312 = arith.constant 1 : i32
        %select_n3A_313 = arith.select %eq3A_311, %jit3A_312, %jit3A_309 : i32
        %rem3A_314 = arith.remsi %add3A_281, %select_n3A_313 : i32
        %ne3A_315 = arith.constant 0 : i32
        %ne3A_316 = arith.cmpi ne, %rem3A_314, %ne3A_315 : i32
        %lt3A_317 = arith.constant 0 : i32
        %lt3A_318 = arith.cmpi slt, %rem3A_314, %lt3A_317 : i32
        %lt3A_319 = arith.constant 0 : i32
        %lt3A_320 = arith.cmpi slt, %select_n3A_313, %lt3A_319 : i32
        %ne3A_321 = arith.xori %lt3A_318, %lt3A_320 : i1
        %and3A_322 = arith.andi %ne3A_321, %ne3A_316 : i1
        %add3A_323 = arith.addi %rem3A_314, %select_n3A_313 : i32
        %select_n3A_324 = arith.select %and3A_322, %add3A_323, %rem3A_314 : i32
        %mul3A_325 = arith.constant 8192 : i32
        %mul3A_326 = arith.muli %select_n3A_324, %mul3A_325 : i32
        %dma_start3A_327 = tpu.memref_slice %arg2[%add3A_308, %mul3A_326] : memref<4096x8192xf32, #tpu.memory_space<hbm>> -> memref<1x8192xf32, #tpu.memory_space<hbm>>
        %dma_start3A_328 = tpu.memref_slice %arg2[%add3A_308, %mul3A_326] : memref<4096x8192xf32, #tpu.memory_space<hbm>> -> memref<1x8192xf32, #tpu.memory_space<hbm>>
        tpu.enqueue_dma source(%dma_start3A_328 : memref<1x8192xf32, #tpu.memory_space<hbm>>) target(%arg12 : memref<1x8192xf32, #tpu.memory_space<vmem>>) target_semaphore(%arg16 : memref<!tpu.dma_semaphore, #tpu.memory_space<semaphore_mem>>)
      } else {
      }
      %jit3A_178 = arith.constant 1 : i32
      %div3A_179 = arith.divsi %add3A_34, %jit3A_178 : i32
      %sign3A_180 = arith.constant 0 : i32
      %sign3A_181 = arith.cmpi sgt, %add3A_34, %sign3A_180 : i32
      %sign3A_182 = arith.extui %sign3A_181 : i1 to i32
      %sign3A_183 = arith.constant 0 : i32
      %sign3A_184 = arith.cmpi slt, %add3A_34, %sign3A_183 : i32
      %sign3A_185 = arith.extui %sign3A_184 : i1 to i32
      %sign3A_186 = arith.subi %sign3A_182, %sign3A_185 : i32
      %sign3A_187 = arith.constant 0 : i32
      %sign3A_188 = arith.cmpi sgt, %jit3A_178, %sign3A_187 : i32
      %sign3A_189 = arith.extui %sign3A_188 : i1 to i32
      %sign3A_190 = arith.constant 0 : i32
      %sign3A_191 = arith.cmpi slt, %jit3A_178, %sign3A_190 : i32
      %sign3A_192 = arith.extui %sign3A_191 : i1 to i32
      %sign3A_193 = arith.subi %sign3A_189, %sign3A_192 : i32
      %ne3A_194 = arith.cmpi ne, %sign3A_186, %sign3A_193 : i32
      %rem3A_195 = arith.remsi %add3A_34, %jit3A_178 : i32
      %ne3A_196 = arith.constant 0 : i32
      %ne3A_197 = arith.cmpi ne, %rem3A_195, %ne3A_196 : i32
      %and3A_198 = arith.andi %ne3A_194, %ne3A_197 : i1
      %sub3A_199 = arith.constant 1 : i32
      %sub3A_200 = arith.subi %div3A_179, %sub3A_199 : i32
      %select_n3A_201 = arith.select %and3A_198, %sub3A_200, %div3A_179 : i32
      %mul3A_202 = arith.constant 1 : i32
      %mul3A_203 = arith.muli %select_n3A_201, %mul3A_202 : i32
      %add3A_204 = arith.addi %mul3A_2, %mul3A_203 : i32
      %jit3A_205 = arith.constant 1 : i32
      %eq3A_206 = arith.constant 0 : i32
      %eq3A_207 = arith.cmpi eq, %jit3A_205, %eq3A_206 : i32
      %jit3A_208 = arith.constant 1 : i32
      %select_n3A_209 = arith.select %eq3A_207, %jit3A_208, %jit3A_205 : i32
      %rem3A_210 = arith.remsi %add3A_34, %select_n3A_209 : i32
      %ne3A_211 = arith.constant 0 : i32
      %ne3A_212 = arith.cmpi ne, %rem3A_210, %ne3A_211 : i32
      %lt3A_213 = arith.constant 0 : i32
      %lt3A_214 = arith.cmpi slt, %rem3A_210, %lt3A_213 : i32
      %lt3A_215 = arith.constant 0 : i32
      %lt3A_216 = arith.cmpi slt, %select_n3A_209, %lt3A_215 : i32
      %ne3A_217 = arith.xori %lt3A_214, %lt3A_216 : i1
      %and3A_218 = arith.andi %ne3A_217, %ne3A_212 : i1
      %add3A_219 = arith.addi %rem3A_210, %select_n3A_209 : i32
      %select_n3A_220 = arith.select %and3A_218, %add3A_219, %rem3A_210 : i32
      %mul3A_221 = arith.constant 8192 : i32
      %mul3A_222 = arith.muli %select_n3A_220, %mul3A_221 : i32
      %dma_wait3A_223 = tpu.memref_slice %arg2[%add3A_204, %mul3A_222] : memref<4096x8192xf32, #tpu.memory_space<hbm>> -> memref<1x8192xf32, #tpu.memory_space<hbm>>
      %dma_wait3A_224 = tpu.memref_slice %arg2[%add3A_204, %mul3A_222] : memref<4096x8192xf32, #tpu.memory_space<hbm>> -> memref<1x8192xf32, #tpu.memory_space<hbm>>
      tpu.wait_dma2 semaphore(%arg17 : memref<!tpu.dma_semaphore, #tpu.memory_space<semaphore_mem>>) src(%dma_wait3A_224 : memref<1x8192xf32, #tpu.memory_space<hbm>>) dst(%arg13 : memref<1x8192xf32, #tpu.memory_space<vmem>>)
      %gt3A_225 = arith.constant 0 : i32
      %gt3A_226 = arith.cmpi sgt, %scan3A_28, %gt3A_225 : i32
      %convert_element_type3A_227 = arith.extui %gt3A_226 : i1 to i32
      %cond3A_228 = arith.constant 0 : i32
      %cond3A_229 = arith.cmpi ne, %convert_element_type3A_227, %cond3A_228 : i32
      scf.if %cond3A_229 {
        %jit3A_280 = arith.constant 1 : i32
        %div3A_281 = arith.divsi %add3A_34, %jit3A_280 : i32
        %sign3A_282 = arith.constant 0 : i32
        %sign3A_283 = arith.cmpi sgt, %add3A_34, %sign3A_282 : i32
        %sign3A_284 = arith.extui %sign3A_283 : i1 to i32
        %sign3A_285 = arith.constant 0 : i32
        %sign3A_286 = arith.cmpi slt, %add3A_34, %sign3A_285 : i32
        %sign3A_287 = arith.extui %sign3A_286 : i1 to i32
        %sign3A_288 = arith.subi %sign3A_284, %sign3A_287 : i32
        %sign3A_289 = arith.constant 0 : i32
        %sign3A_290 = arith.cmpi sgt, %jit3A_280, %sign3A_289 : i32
        %sign3A_291 = arith.extui %sign3A_290 : i1 to i32
        %sign3A_292 = arith.constant 0 : i32
        %sign3A_293 = arith.cmpi slt, %jit3A_280, %sign3A_292 : i32
        %sign3A_294 = arith.extui %sign3A_293 : i1 to i32
        %sign3A_295 = arith.subi %sign3A_291, %sign3A_294 : i32
        %ne3A_296 = arith.cmpi ne, %sign3A_288, %sign3A_295 : i32
        %rem3A_297 = arith.remsi %add3A_34, %jit3A_280 : i32
        %ne3A_298 = arith.constant 0 : i32
        %ne3A_299 = arith.cmpi ne, %rem3A_297, %ne3A_298 : i32
        %and3A_300 = arith.andi %ne3A_296, %ne3A_299 : i1
        %sub3A_301 = arith.constant 1 : i32
        %sub3A_302 = arith.subi %div3A_281, %sub3A_301 : i32
        %select_n3A_303 = arith.select %and3A_300, %sub3A_302, %div3A_281 : i32
        %mul3A_304 = arith.constant 1 : i32
        %mul3A_305 = arith.muli %select_n3A_303, %mul3A_304 : i32
        %add3A_306 = arith.addi %mul3A_2, %mul3A_305 : i32
        %jit3A_307 = arith.constant 1 : i32
        %eq3A_308 = arith.constant 0 : i32
        %eq3A_309 = arith.cmpi eq, %jit3A_307, %eq3A_308 : i32
        %jit3A_310 = arith.constant 1 : i32
        %select_n3A_311 = arith.select %eq3A_309, %jit3A_310, %jit3A_307 : i32
        %rem3A_312 = arith.remsi %add3A_34, %select_n3A_311 : i32
        %ne3A_313 = arith.constant 0 : i32
        %ne3A_314 = arith.cmpi ne, %rem3A_312, %ne3A_313 : i32
        %lt3A_315 = arith.constant 0 : i32
        %lt3A_316 = arith.cmpi slt, %rem3A_312, %lt3A_315 : i32
        %lt3A_317 = arith.constant 0 : i32
        %lt3A_318 = arith.cmpi slt, %select_n3A_311, %lt3A_317 : i32
        %ne3A_319 = arith.xori %lt3A_316, %lt3A_318 : i1
        %and3A_320 = arith.andi %ne3A_319, %ne3A_314 : i1
        %add3A_321 = arith.addi %rem3A_312, %select_n3A_311 : i32
        %select_n3A_322 = arith.select %and3A_320, %add3A_321, %rem3A_312 : i32
        %mul3A_323 = arith.constant 8192 : i32
        %mul3A_324 = arith.muli %select_n3A_322, %mul3A_323 : i32
        %dma_wait3A_325 = tpu.memref_slice %arg6[%add3A_306, %mul3A_324] : memref<4096x8192xf32, #tpu.memory_space<hbm>> -> memref<1x8192xf32, #tpu.memory_space<hbm>>
        %dma_wait3A_326 = tpu.memref_slice %arg6[%add3A_306, %mul3A_324] : memref<4096x8192xf32, #tpu.memory_space<hbm>> -> memref<1x8192xf32, #tpu.memory_space<hbm>>
        tpu.wait_dma2 semaphore(%arg19 : memref<!tpu.dma_semaphore, #tpu.memory_space<semaphore_mem>>) src(%arg15 : memref<1x8192xf32, #tpu.memory_space<vmem>>) dst(%dma_wait3A_326 : memref<1x8192xf32, #tpu.memory_space<hbm>>)
      } else {
      }
      %parallel_loop3A_230 = arith.constant 0 : i32
      %parallel_loop3A_231 = arith.constant 8192 : i32
      %parallel_loop3A_232 = arith.constant 16 : i32
      scf.for %parallel_loop3A_280 = %parallel_loop3A_230 to %parallel_loop3A_231 step %parallel_loop3A_232  : i32 {
        %parallel_loop3A_281 = arith.constant 0 : i32
        %parallel_loop3A_282 = arith.index_cast %parallel_loop3A_281 : i32 to index
        %parallel_loop3A_283 = arith.index_cast %parallel_loop3A_280 : i32 to index
        %parallel_loop3A_284 = tpu.vector_load %arg13[%parallel_loop3A_282, %parallel_loop3A_283] {strides = array<i32>} : memref<1x8192xf32, #tpu.memory_space<vmem>>, vector<16xf32>,
        %parallel_loop3A_285 = arith.subf %parallel_loop3A_284, %get3A_6 : vector<16xf32>
        %parallel_loop3A_286 = arith.mulf %parallel_loop3A_285, %get3A_8 : vector<16xf32>
        %parallel_loop3A_287 = arith.fptosi %parallel_loop3A_286 : vector<16xf32> to vector<16xi32>
        %parallel_loop3A_288 = arith.constant 0 : i32
        %parallel_loop3A_289 = arith.constant 1022 : i32
        %parallel_loop3A_290 = vector.broadcast %parallel_loop3A_288 : i32 to vector<16xi32>
        %parallel_loop3A_291 = arith.maxsi %parallel_loop3A_290, %parallel_loop3A_287 : vector<16xi32>
        %parallel_loop3A_292 = vector.broadcast %parallel_loop3A_289 : i32 to vector<16xi32>
        %parallel_loop3A_293 = arith.minsi %parallel_loop3A_292, %parallel_loop3A_291 : vector<16xi32>
        %parallel_loop3A_294 = tpu.vector_load_idx %arg8[%parallel_loop3A_293] : memref<1024xf32, #tpu.memory_space<vmem>>[vector<16xi32>], vector<16xf32>,
        %parallel_loop3A_295 = tpu.vector_load_idx %arg9[%parallel_loop3A_293] : memref<1024xf32, #tpu.memory_space<vmem>>[vector<16xi32>], vector<16xf32>,
        %parallel_loop3A_296 = arith.mulf %parallel_loop3A_295, %parallel_loop3A_284 : vector<16xf32>
        %parallel_loop3A_297 = arith.addf %parallel_loop3A_294, %parallel_loop3A_296 : vector<16xf32>
        %parallel_loop3A_298 = arith.constant 0 : i32
        %parallel_loop3A_299 = arith.index_cast %parallel_loop3A_298 : i32 to index
        %parallel_loop3A_300 = arith.index_cast %parallel_loop3A_280 : i32 to index
        %parallel_loop3A_301 = tpu.vector_load %arg15[%parallel_loop3A_299, %parallel_loop3A_300] {strides = array<i32>} : memref<1x8192xf32, #tpu.memory_space<vmem>>, vector<16xf32>,
        tpu.vector_store %arg15[%parallel_loop3A_299, %parallel_loop3A_300], %parallel_loop3A_297 {strides = array<i32>} : memref<1x8192xf32, #tpu.memory_space<vmem>>, vector<16xf32>,
      } {sc.loop_unroll_factor = 4 : i64, sc.parallel_access}
      %jit3A_233 = arith.constant 1 : i32
      %div3A_234 = arith.divsi %add3A_34, %jit3A_233 : i32
      %sign3A_235 = arith.constant 0 : i32
      %sign3A_236 = arith.cmpi sgt, %add3A_34, %sign3A_235 : i32
      %sign3A_237 = arith.extui %sign3A_236 : i1 to i32
      %sign3A_238 = arith.constant 0 : i32
      %sign3A_239 = arith.cmpi slt, %add3A_34, %sign3A_238 : i32
      %sign3A_240 = arith.extui %sign3A_239 : i1 to i32
      %sign3A_241 = arith.subi %sign3A_237, %sign3A_240 : i32
      %sign3A_242 = arith.constant 0 : i32
      %sign3A_243 = arith.cmpi sgt, %jit3A_233, %sign3A_242 : i32
      %sign3A_244 = arith.extui %sign3A_243 : i1 to i32
      %sign3A_245 = arith.constant 0 : i32
      %sign3A_246 = arith.cmpi slt, %jit3A_233, %sign3A_245 : i32
      %sign3A_247 = arith.extui %sign3A_246 : i1 to i32
      %sign3A_248 = arith.subi %sign3A_244, %sign3A_247 : i32
      %ne3A_249 = arith.cmpi ne, %sign3A_241, %sign3A_248 : i32
      %rem3A_250 = arith.remsi %add3A_34, %jit3A_233 : i32
      %ne3A_251 = arith.constant 0 : i32
      %ne3A_252 = arith.cmpi ne, %rem3A_250, %ne3A_251 : i32
      %and3A_253 = arith.andi %ne3A_249, %ne3A_252 : i1
      %sub3A_254 = arith.constant 1 : i32
      %sub3A_255 = arith.subi %div3A_234, %sub3A_254 : i32
      %select_n3A_256 = arith.select %and3A_253, %sub3A_255, %div3A_234 : i32
      %mul3A_257 = arith.constant 1 : i32
      %mul3A_258 = arith.muli %select_n3A_256, %mul3A_257 : i32
      %add3A_259 = arith.addi %mul3A_2, %mul3A_258 : i32
      %jit3A_260 = arith.constant 1 : i32
      %eq3A_261 = arith.constant 0 : i32
      %eq3A_262 = arith.cmpi eq, %jit3A_260, %eq3A_261 : i32
      %jit3A_263 = arith.constant 1 : i32
      %select_n3A_264 = arith.select %eq3A_262, %jit3A_263, %jit3A_260 : i32
      %rem3A_265 = arith.remsi %add3A_34, %select_n3A_264 : i32
      %ne3A_266 = arith.constant 0 : i32
      %ne3A_267 = arith.cmpi ne, %rem3A_265, %ne3A_266 : i32
      %lt3A_268 = arith.constant 0 : i32
      %lt3A_269 = arith.cmpi slt, %rem3A_265, %lt3A_268 : i32
      %lt3A_270 = arith.constant 0 : i32
      %lt3A_271 = arith.cmpi slt, %select_n3A_264, %lt3A_270 : i32
      %ne3A_272 = arith.xori %lt3A_269, %lt3A_271 : i1
      %and3A_273 = arith.andi %ne3A_272, %ne3A_267 : i1
      %add3A_274 = arith.addi %rem3A_265, %select_n3A_264 : i32
      %select_n3A_275 = arith.select %and3A_273, %add3A_274, %rem3A_265 : i32
      %mul3A_276 = arith.constant 8192 : i32
      %mul3A_277 = arith.muli %select_n3A_275, %mul3A_276 : i32
      %dma_start3A_278 = tpu.memref_slice %arg6[%add3A_259, %mul3A_277] : memref<4096x8192xf32, #tpu.memory_space<hbm>> -> memref<1x8192xf32, #tpu.memory_space<hbm>>
      %dma_start3A_279 = tpu.memref_slice %arg6[%add3A_259, %mul3A_277] : memref<4096x8192xf32, #tpu.memory_space<hbm>> -> memref<1x8192xf32, #tpu.memory_space<hbm>>
      tpu.enqueue_dma source(%arg15 : memref<1x8192xf32, #tpu.memory_space<vmem>>) target(%dma_start3A_279 : memref<1x8192xf32, #tpu.memory_space<hbm>>) target_semaphore(%arg19 : memref<!tpu.dma_semaphore, #tpu.memory_space<semaphore_mem>>)
    }
    %scan3A_16 = arith.constant 64 : i32
    %add3A_17 = arith.constant 126 : i32
    %add3A_18 = arith.addi %mul3A_2, %add3A_17 : i32
    %dma_wait3A = arith.constant 0 : i32
    %dma_wait3A_19 = tpu.memref_slice %arg6[%add3A_18, %dma_wait3A] : memref<4096x8192xf32, #tpu.memory_space<hbm>> -> memref<1x8192xf32, #tpu.memory_space<hbm>>
    %dma_wait3A_20 = arith.constant 0 : i32
    %dma_wait3A_21 = tpu.memref_slice %arg6[%add3A_18, %dma_wait3A_20] : memref<4096x8192xf32, #tpu.memory_space<hbm>> -> memref<1x8192xf32, #tpu.memory_space<hbm>>
    tpu.wait_dma2 semaphore(%arg18 : memref<!tpu.dma_semaphore, #tpu.memory_space<semaphore_mem>>) src(%arg14 : memref<1x8192xf32, #tpu.memory_space<vmem>>) dst(%dma_wait3A_21 : memref<1x8192xf32, #tpu.memory_space<hbm>>)
    %add3A_22 = arith.constant 127 : i32
    %add3A_23 = arith.addi %mul3A_2, %add3A_22 : i32
    %dma_wait3A_24 = arith.constant 0 : i32
    %dma_wait3A_25 = tpu.memref_slice %arg6[%add3A_23, %dma_wait3A_24] : memref<4096x8192xf32, #tpu.memory_space<hbm>> -> memref<1x8192xf32, #tpu.memory_space<hbm>>
    %dma_wait3A_26 = arith.constant 0 : i32
    %dma_wait3A_27 = tpu.memref_slice %arg6[%add3A_23, %dma_wait3A_26] : memref<4096x8192xf32, #tpu.memory_space<hbm>> -> memref<1x8192xf32, #tpu.memory_space<hbm>>
    tpu.wait_dma2 semaphore(%arg19 : memref<!tpu.dma_semaphore, #tpu.memory_space<semaphore_mem>>) src(%arg15 : memref<1x8192xf32, #tpu.memory_space<vmem>>) dst(%dma_wait3A_27 : memref<1x8192xf32, #tpu.memory_space<hbm>>)
    return
  }
}

</mosaic_0001>

<sc_bundles>
// kernel: kernel.3.cloned.1.call-start
scs
__scs_entry_jumppad:
0x0: {  	(pc) =	sbr.rel $0x88, $3  }
0x1: {  	(tag) =	ssettag $0x0;
	lr =	simm.s32 $0x1  }
0x2: {  	[smem:$0x3F9E] =	sst lr;
	_ =	strace $0xD0000000  }
0x3: {  	_ = 	snop  }
0x4: {  	_ = 	snop  }
0x5: {  	_ = 	snop  }
0x6: {  	_ = 	snop  }
0x7: {  	_ = 	snop  }
__scs_overlays_trampoline_lowered:
0x8: {  	[smem:$0x3FAD] =	sst s0  }
0x9: {  	[smem:$0x3FAE] =	sst s1  }
0xa: {  	[smem:$0x3FAF] =	sst s2  }
0xb: {  	[smem:$0x3FB0] =	sst s3  }
0xc: {  	[smem:$0x3FB1] =	sst s4  }
0xd: {  	[smem:$0x3FB2] =	sst s5  }
0xe: {  	[smem:$0x3FB3] =	sst s6  }
0xf: {  	[smem:$0x3FB4] =	sst s7  }
0x10: {  	[smem:$0x3FB5] =	sst s8  }
0x11: {  	[smem:$0x3FB6] =	sst s9;
	s0 =	simm.s32 @!p0 $0x0  }
0x12: {  	s1 =	sld [smem:$0x3F9C];
	s0 =	simm.s32 @p0 $0x1  }
0x13: {  	[smem:$0x3FB7] =	sst s0;
	s0 =	simm.s32 @!p1 $0x0  }
0x14: {  	s2 =	sld [smem:$0x3F9B];
	s0 =	simm.s32 @p1 $0x1  }
0x15: {  	[smem:$0x3FB8] =	sst s0;
	s0 =	simm.s32 @!p2 $0x0  }
0x16: {  	s3 =	sld [smem:$0x3FDB];
	s0 =	simm.s32 @p2 $0x1  }
0x17: {  	s4 =	simm.s32 $0x1BF5;
	[smem:$0x3FBA] =	sst s0  }
0x18: {  	s0 =	sld [smem:$0x3F9D];
	_ =	swait.ge [sflag:s4], $0x0  }
0x19: {  	s7 =	sld [smem:$0x3F9E]  }
0x1a: {  	s8 =	sadd.s32 $0xFFFFE003, lr  }
0x1b: {  	s9 =	sadd.s32 $0xFFFFFEF7, lr;
	s5 =	simm.s32 $0xFFFFFFFF;
	p2 =	slt.u32 s8, $0xFFFFF086  }
0x1c: {  	p1 =	slt.u32 s9, $0xF7A;
	s5 =	simm.s32 @!p2 $0x0  }
0x1d: {  	s5 =	simm.s32 @p1 $0x1;
	p0 =	seq.s32 s7, s2  }
0x1e: {  	s7 =	smul.u32 @!p0 $0xF7A, s2;
	p2 =	seq.s32 @!p0 s5, $0x0  }
0x1f: {  	s9 =	smul.u32 $0xF7A, s1;
	s8 =	simm.s32 @!p0 $0x1BF5;
	p2 =	por !p2, p0  }
0x20: {  	[sflag:s8] =	ssyncset.s32 @!p0 $0xFFFFF086;
	s6 =	sadd.s32 @!p0 s3, s7;
	s7 =	simm.s32 @!p0 $0x108  }
0x21: {  	s3 =	sadd.s32 s3, s9;
	s6 =	sadd.s32 @!p0 $0x88, s6;
	s7 =	simm.s32 @p2 $0x1082  }
0x22: {  	[simem:s7], [sflag:s8] =	dma.local @!p0 [hbm:s6], $0xF7A  }
0x23: {  	s9 =	sor.u32 $0xD0000000, s2;
	s6 =	simm.s32 $0x108;
	_ =	swait.ge @!p0 [sflag:s8], $0x0  }
0x24: {  	s3 =	sadd.s32 $0x88, s3;
	s6 =	simm.s32 @!p1 $0x1082;
	[sflag:s4] =	ssyncset.s32 $0xFFFFF086  }
0x25: {  	[simem:s6], [sflag:s4] =	dma.local [hbm:s3], $0xF7A  }
0x26: {  	[smem:$0x3F9E] =	sst s1;
	(tag) =	ssettag s2;
	_ =	strace s9  }
0x27: {  	s1 =	sld [smem:$0x3FAE]  }
0x28: {  	s2 =	sld [smem:$0x3FAF]  }
0x29: {  	s4 =	sld [smem:$0x3FB1]  }
0x2a: {  	p0 =	seq.s32 s5, $0x0;
	s5 =	sld [smem:$0x3FB2]  }
0x2b: {  	s6 =	sld [smem:$0x3FB3]  }
0x2c: {  	s7 =	sld [smem:$0x3FB4]  }
0x2d: {  	s3 =	simm.s32 $0x108;
	s8 =	sld [smem:$0x3FB5]  }
0x2e: {  	s3 =	simm.s32 @!p0 $0x1082;
	s9 =	sld [smem:$0x3FB6]  }
0x2f: {  	lr =	sadd.s32 s0, s3;
	s0 =	sld [smem:$0x3FAD]  }
0x30: {  	s3 =	sld [smem:$0x3FB0]  }
0x31: {  	[smem:$0x3FB9] =	sst s10  }
0x32: {  	s10 =	sld [smem:$0x3FB7];
	_ =	sdelay $0x3  }
0x33: {  	p0 =	seq.s32 s10, $0x1;
	s10 =	sld [smem:$0x3FB9];
	_ =	sdelay $0x3  }
0x34: {  	[smem:$0x3FB9] =	sst s10  }
0x35: {  	s10 =	sld [smem:$0x3FB8];
	_ =	sdelay $0x3  }
0x36: {  	p1 =	seq.s32 s10, $0x1;
	s10 =	sld [smem:$0x3FB9];
	_ =	sdelay $0x3  }
0x37: {  	[smem:$0x3FB9] =	sst s10  }
0x38: {  	s10 =	sld [smem:$0x3FBA]  }
0x39: {  	_ = 	snop;
	(pc) =	sbr.ind lr, $3  }
0x3a: {  	_ = 	snop  }
0x3b: {  	_ = 	snop  }
0x3c: {  	p2 =	seq.s32 s10, $0x1;
	s10 =	sld [smem:$0x3FB9]  }
0x3d: {  	_ =	shalt  }
0x3e: {  	_ =	shalt  }
0x3f: {  	_ =	shalt  }
0x40: {  	_ =	shalt  }
0x41: {  	_ =	shalt  }
0x42: {  	_ =	shalt  }
0x43: {  	_ =	shalt  }
0x44: {  	_ =	shalt  }
0x45: {  	_ =	shalt  }
0x46: {  	_ =	shalt  }
0x47: {  	_ =	shalt  }
0x48: {  	_ =	shalt  }
0x49: {  	_ =	shalt  }
0x4a: {  	_ =	shalt  }
0x4b: {  	_ =	shalt  }
0x4c: {  	_ =	shalt  }
0x4d: {  	_ =	shalt  }
0x4e: {  	_ =	shalt  }
0x4f: {  	_ =	shalt  }
0x50: {  	_ =	shalt  }
0x51: {  	_ =	shalt  }
0x52: {  	_ =	shalt  }
0x53: {  	_ =	shalt  }
0x54: {  	_ =	shalt  }
0x55: {  	_ =	shalt  }
0x56: {  	_ =	shalt  }
0x57: {  	_ =	shalt  }
0x58: {  	_ =	shalt  }
0x59: {  	_ =	shalt  }
0x5a: {  	_ =	shalt  }
0x5b: {  	_ =	shalt  }
0x5c: {  	_ =	shalt  }
0x5d: {  	_ =	shalt  }
0x5e: {  	_ =	shalt  }
0x5f: {  	_ =	shalt  }
0x60: {  	_ =	shalt  }
0x61: {  	_ =	shalt  }
0x62: {  	_ =	shalt  }
0x63: {  	_ =	shalt  }
0x64: {  	_ =	shalt  }
0x65: {  	_ =	shalt  }
0x66: {  	_ =	shalt  }
0x67: {  	_ =	shalt  }
0x68: {  	_ =	shalt  }
0x69: {  	_ =	shalt  }
0x6a: {  	_ =	shalt  }
0x6b: {  	_ =	shalt  }
0x6c: {  	_ =	shalt  }
0x6d: {  	_ =	shalt  }
0x6e: {  	_ =	shalt  }
0x6f: {  	_ =	shalt  }
0x70: {  	_ =	shalt  }
0x71: {  	_ =	shalt  }
0x72: {  	_ =	shalt  }
0x73: {  	_ =	shalt  }
0x74: {  	_ =	shalt  }
0x75: {  	_ =	shalt  }
0x76: {  	_ =	shalt  }
0x77: {  	_ =	shalt  }
0x78: {  	_ =	shalt  }
0x79: {  	_ =	shalt  }
0x7a: {  	_ =	shalt  }
0x7b: {  	_ =	shalt  }
0x7c: {  	_ =	shalt  }
0x7d: {  	_ =	shalt  }
0x7e: {  	_ =	shalt  }
0x7f: {  	_ =	shalt  }
0x80: {  	_ =	shalt  }
0x81: {  	_ =	shalt  }
0x82: {  	_ =	shalt  }
0x83: {  	_ =	shalt  }
0x84: {  	_ =	shalt  }
0x85: {  	_ =	shalt  }
0x86: {  	_ =	shalt  }
0x87: {  	_ =	shalt  }
.Lfunc_end0:
.L_simem_size_0:
called_computation_lowered:
.L_overlay_start_0:
0x88: {  	s2 =	sld [smem:$0x3FD9]  }
0x89: {  	s3 =	sld [smem:$0x3FFE];
	_ =	sdelay $0x1  }
0x8a: {  	s1 =	srdreg.scid  }
0x8b: {  	s0 =	sand.u32 $0x1, s1  }
0x8c: {  	s17 =	sshll.u32 s0, $0xA;
	s2 =	sadd.s32 s3, s2  }
0x8d: {  	s2 =	sadd.s32 s2, s17  }
0x8e: {  	[smem:$0x3FC5] =	sst s2  }
0x8f: {  	_ = 	snop  }
0x90: {  	s2 =	sld [smem:$0x3FC9]  }
0x91: {  	s18 =	sld [smem:$0x3FC8]  }
0x92: {  	s4 =	sld [smem:$0x3FD0];
	(tm) =	ssettm $0x1  }
0x93: {  	s5 =	sld [smem:$0x3FFB];
	_ =	sdelay $0x3  }
0x94: {  	_ =	strace s5  }
0x95: {  	s5 =	sld [smem:$0x3FFC];
	_ =	sdelay $0x3  }
0x96: {  	_ =	strace s5  }
0x97: {  	s5 =	sld [smem:$0x3FFD];
	_ =	sdelay $0x3  }
0x98: {  	_ =	strace s5  }
0x99: {  	_ =	strace $0x8FFFFFFF  }
0x9a: {  	s19 =	sld [smem:$0x3FDB];
	_ =	sdelay $0x1  }
0x9b: {  	s6 =	simm.s32 $_scs_section_size  }
0x9c: {  	s7 =	simm.s32 $_size__tile_overlayer_lowered;
	s8 =	simm.s32 $_tile_overlayer_lowered  }
0x9d: {  	s22 =	simm.s32 $0x1BFF;
	s21 =	sshll.u32 s8, $0x1;
	s5 =	sadd.s32 s6, s19  }
0x9e: {  	s9 =	simm.s32 $0x0;
	s20 =	sshll.u32 s7, $0x1;
	s7 =	sadd.s32 s21, s5  }
0x9f: {  	[timem:s9], [sflag:s22] =	dma.local [hbm:s7], s20  }
0xa0: {  	_ =	swait.ge [sflag:s22], s20  }
0xa1: {  	s6 =	ssub.s32 $0x0, s20;
	[sflag:s22] =	ssyncset.done $0x0  }
0xa2: {  	[sflag:s22] =	ssyncadd.s32 s6;
	_ =	sdelay $0x1  }
0xa3: {  	s23 =	simm.s32 $0x1B8B  }
0xa4: {  	_ =	swait.ge [sflag:s23], $0x1  }
0xa5: {  	[sflag:s23] =	ssyncset.done $0x0  }
0xa6: {  	s25 =	simm.s32 $0x1B8E;
	s24 =	sld [smem:$0x3FFE];
	[sflag:s23] =	ssyncadd.s32 $0xFFFFFFFF  }
0xa7: {  	s26 =	simm.s32 $execute0_lowered;
	[smem:$0x3FD2] =	sst s25  }
0xa8: {  	s7 =	sshll.u32 s26, $0x1;
	_ =	strace $0x80000046;
	[dreg:$0x1] =	wrdreg $0xFFFFFFFF  }
0xa9: {  	s28 =	simm.s32 $_size_execute0_lowered;
	s5 =	sadd.s32 s5, s7;
	[dreg:$0x0] =	wrdreg $0x0  }
0xaa: {  	s7 =	sshll.u32 s28, $0x1;
	[dreg:$0x2] =	wrdreg s5  }
0xab: {  	[dreg:$0x3] =	wrdreg s7  }
0xac: {  	[dreg:$0x4] =	wrdreg $0xC0  }
0xad: {  	_ =	task [dreg:s9], $0x5FFFF  }
0xae: {  	[dreg:$0x1] =	wrdreg $0xFFFFFFFF  }
0xaf: {  	[dreg:$0x0] =	wrdreg $0x60  }
0xb0: {  	[dreg:$0x2] =	wrdreg s2  }
0xb1: {  	[dreg:$0x3] =	wrdreg s18  }
0xb2: {  	[dreg:$0x4] =	wrdreg s24  }
0xb3: {  	[dreg:$0x5] =	wrdreg s4  }
0xb4: {  	[dreg:$0x6] =	wrdreg $0x9  }
0xb5: {  	_ =	task.clear_ibuf [dreg:s9], $0x7FFFF;
	_ =	strace $0x90000046  }
0xb6: {  	s29 =	simm.s32 $0x9;
	_ =	strace $0x80000048  }
0xb7: {  	_ =	swait.ge [sflag:s29], $0x1  }
0xb8: {  	[sflag:s29] =	ssyncadd.s32 $0xFFFFFFFF  }
0xb9: {  	_ =	strace $0x90000048  }
0xba: {  	_ =	sfence  }
0xbb: {  	s30 =	sld [smem:$0x0];
	_ =	sdelay $0x2  }
0xbc: {  	s31 =	sshll.u32 s1, $0xD;
	s1 =	sshrl.u32 s1, $0x2  }
0xbd: {  	s3 =	sand.u32 $0x4000, s31;
	s1 =	sadd.s32 s1, s30  }
0xbe: {  	s0 =	sor.u32 s3, s0;
	s1 =	sshll.u32 s1, $0x11  }
0xbf: {  	s0 =	sor.u32 s1, s0  }
0xc0: {  	s0 =	sadd.s32 $0x8F2B, s0  }
0xc1: {  	[sflag:s0] =	ssyncadd.remote.s32 $0x1  }
0xc2: {  	_ =	sfence.sel $0xFFFF  }
0xc3: {  	[dreg:$0x0] =	wrdreg $0xFFFFFFFF;
	(pc) =	sbr.abs _section_cstart, $3  }
0xc4: {  	[dreg:$0x1] =	wrdreg $0xFFFFFFFF  }
0xc5: {  	_ =	task.clear_ibuf [dreg:s9], $0x2FFFF;
	_ =	strace $0x9FFFFFFF  }
0xc6: {  	(tm) =	ssettm $0x7FFFFFFF  }
0xc7: {  	_ =	shalt  }
tec
execute0_lowered:
.L_overlay_start_1:
0x0: {  	(tag) =	ssettag $0x1  }
0x1: {  	s1 =	rddreg [dreg:$0x0]  }
0x2: {  	s0 =	rddreg [dreg:$0x2]  }
0x3: {  	s4 =	rddreg [dreg:$0x3];
	s2 =	srdreg.scid  }
0x4: {  	s5 =	simm.s32 $0x0;
	s3 =	stileid.u32;
	s11 =	simm.s32 $0x80  }
0x5: {  	s12 =	simm.s32 $0x400;
	s13 =	simm.s32 $0xD00;
	s14 =	simm.s32 $0xC00  }
0x6: {  	s15 =	simm.s32 $0xC80;
	s16 =	simm.s32 $0x3;
	s17 =	simm.s32 $0x4  }
0x7: {  	s18 =	simm.s32 $0x2;
	s19 =	simm.s32 $0x2D00;
	s20 =	simm.s32 $0x1  }
0x8: {  	s21 =	simm.s32 $0x800;
	s22 =	simm.s32 $0x4D00;
	s23 =	simm.s32 $0x6D00  }
0x9: {  	s24 =	simm.s32 $0x0;
	s2 =	sand.u32 $0x1, s2;
	[smem:$0x7FF] =	sst s5  }
0xa: {  	s3 =	sshll.u32 s3, $0x8;
	s6 =	sshll.u32 s2, $0x7;
	s2 =	ssub.s32 $0x2, s2  }
0xb: {  	s7 =	sadd.s32 $0xA00, s0;
	s6 =	sor.u32 s6, s3;
	s30 =	sshrl.u32 s2, $0x1  }
0xc: {  	v0 =	vlaneseq.u32;
	s8 =	sadd.s32 $0x800, s0;
	s9 =	sshll.u32 s6, $0xA;
	s31 =	ssub.s32 s2, s30  }
0xd: {  	v1 =	vadd.s32 $0x1, v0;
	_ =	strace $0x80000047;
	s9 =	sadd.s32 s1, s9;
	s10 =	smax.u32 s31, $0x1  }
.LBB2_1:
0xe: {  	[tilespmem:s13], [sflag:$0x1] =	stream.strided.gather [hbm4b:s9+s11], $0x2000, s12, s11, $0x38;
	[tilespmem:$0x8D00] =	vst v63  }
0xf: {  	s0 =	rddreg [dreg:$0x1]  }
0x10: {  	[tilespmem:s5], [sflag:$0x3] =	stream.linear.gather [hbm4b:s0+s5], $0x400, $0x38;
	[tilespmem:$0x8D00] =	vst v63  }
0x11: {  	_ = 	snop  }
0x12: {  	[tilespmem:s14], [sflag:$0x4] =	stream.linear.gather [hbm4b:s7+s5], $0x80, $0x38;
	[tilespmem:$0x8D00] =	vst v63  }
0x13: {  	_ = 	snop  }
0x14: {  	[tilespmem:s15], [sflag:$0x2] =	stream.linear.gather [hbm4b:s8+s5], $0x80, $0x38;
	[tilespmem:$0x8D00] =	vst v63  }
0x15: {  	_ =	swait.ge [sflag:s16], $0x400  }
0x16: {  	[sflag:s16] =	ssyncset.done $0x0  }
0x17: {  	[sflag:s16] =	ssyncadd.s32 $0xFFFFFC00  }
0x18: {  	_ =	swait.ge [sflag:s17], $0x80  }
0x19: {  	s26 =	simm.s32 $0x10;
	[sflag:s17] =	ssyncset.done $0x0  }
0x1a: {  	v2 =	vadd.s32 s26, v1;
	[sflag:s17] =	ssyncadd.s32 $0xFFFFFF80  }
0x1b: {  	v5 =	vor.u32 s26, v0;
	vm0 =	vlt.s32 v2, $0x3FF;
	_ =	swait.ge [sflag:s18], $0x80  }
0x1c: {  	v4 =	vnsel vm0, $0x3FF, v2;
	[sflag:s18] =	ssyncset.done $0x0  }
0x1d: {  	[sflag:s18] =	ssyncadd.s32 $0xFFFFFF80  }
0x1e: {  	v6 =	vor.u32 s5, v0;
	v2 =	vld [tilespmem:$0xC00]  }
0x1f: {  	v7 =	vor.u32 s5, v1;
	s29 =	simm.s32 $0x30;
	v3 =	vld [tilespmem:$0xC80]  }
0x20: {  	v8 =	vadd.s32 s29, v1;
	v9 =	vld.idx.msk [tilespmem:v5+s5+$0x0], $0xffff  }
0x21: {  	v11 =	vor.u32 s29, v0;
	vm14 =	vlt.s32 v8, $0x3FF;
	v10 =	vld.idx.msk [tilespmem:v4+s5+$0x0], $0xffff  }
0x22: {  	s30 =	simm.s32 $0x20;
	v12 =	vnsel vm14, $0x3FF, v8  }
0x23: {  	s31 =	simm.s32 $0x50;
	v16 =	vor.u32 s30, v0;
	v18 =	vld.idx.msk [tilespmem:v6+s5+$0x0], $0xffff  }
0x24: {  	v15 =	vadd.s32 s31, v1;
	v13 =	vld.idx.msk [tilespmem:v7+s5+$0x0], $0xffff;
	v5 =	vcvt.s32.f32 v5;
	v4 =	vmul.f32 v3, v2  }
0x25: {  	v14 =	vor.u32 s30, v1;
	vm15 =	vlt.s32 v15, $0x3FF  }
0x26: {  	v15 =	vnsel vm15, $0x3FF, v15;
	v8 =	vld.idx.msk [tilespmem:v11+s5+$0x0], $0xffff;
	v10 =	vsub.f32 v10, v9;
	v5 =	vadd.f32 v5, v4  }
0x27: {  	v12 =	vld.idx.msk [tilespmem:v12+s5+$0x0], $0xffff;
	v6 =	vcvt.s32.f32 v6  }
0x28: {  	s2 =	simm.s32 $0x40;
	v7 =	vor.u32 s31, v0;
	v17 =	vmul.f32 v10, v5  }
0x29: {  	v19 =	vsub.f32 v13, v18;
	v13 =	vor.u32 s2, v0;
	v6 =	vadd.f32 v6, v4;
	v5 =	vld.idx.msk [tilespmem:v16+s5+$0x0], $0xffff  }
0x2a: {  	v20 =	vcvt.s32.f32 v11;
	v17 =	vsub.f32 v9, v17;
	v9 =	vld.idx.msk [tilespmem:v14+s5+$0x0], $0xffff;
	v14 =	vor.u32 s2, v1  }
0x2b: {  	s3 =	simm.s32 $0x410;
	v15 =	vld.idx.msk [tilespmem:v15+s5+$0x0], $0xffff;
	v21 =	vmul.f32 v10, v3;
	v22 =	vmul.f32 v19, v6  }
0x2c: {  	s28 =	simm.s32 $0x70;
	s0 =	simm.s32 $0x810;
	v11 =	vsub.f32 v12, v8;
	v10 =	vmul.f32 v19, v3;
	[tilespmem:s3+$0x0] =	vst v17;
	v17 =	vadd.f32 v20, v4  }
0x2d: {  	s25 =	simm.s32 $0x0;
	s26 =	simm.s32 $0x80;
	v12 =	vmovc v13;
	v6 =	vld.idx.msk [tilespmem:v7+s5+$0x0], $0xffff;
	v19 =	vadd.s32 s28, v1;
	v16 =	vcvt.s32.f32 v16;
	s2 =	simm.s32 $0x60;
	v18 =	vsub.f32 v18, v22;
	[tilespmem:s0+$0x0] =	vst v21  }
.LBB2_2:
0x2e: {  	p0 =	slt.u32 s26, $0x3E0;
	v20 =	vor.u32 s28, v0;
	vm0 =	vlt.s32 v19, $0x3FF;
	v21 =	vld.idx.msk [tilespmem:v13+s25+$0x0], $0xffff;
	v17 =	vmul.f32 v11, v17  }
0x2f: {  	v22 =	vnsel vm0, $0x3FF, v19;
	v19 =	vsub.f32 v9, v5;
	v9 =	vld.idx.msk [tilespmem:v14+s25+$0x0], $0xffff;
	[tilespmem:s3+$0xFFFFFFF0] =	vst v18  }
.Ltmp0:
0x30: {  	v13 =	vor.u32 s2, v0;
	v16 =	vadd.f32 v16, v4;
	v24 =	vsub.f32 v8, v17;
	[tilespmem:s0+$0xFFFFFFF0] =	vst v10;
	(pc) =	sbr.rel @p0 .LBB2_2-.Ltmp0, $4  }
0x31: {  	v14 =	vor.u32 s2, v1;
	v18 =	vmul.f32 v11, v3;
	s3 =	sadd.s32 $0x20, s3;
	s2 =	smov.u32 s26;
	v17 =	vcvt.s32.f32 v7;
	v7 =	vmovc v20  }
0x32: {  	s25 =	simm.s32 $0x0;
	s0 =	sadd.s32 $0x20, s0;
	v23 =	vmul.f32 v19, v16;
	v10 =	vmul.f32 v19, v3;
	v8 =	vmov v6;
	[tilespmem:s3+$0x0] =	vst v24  }
0x33: {  	s28 =	sadd.s32 $0x10, s26;
	v11 =	vsub.f32 v15, v8;
	v17 =	vadd.f32 v17, v4;
	v6 =	vld.idx.msk [tilespmem:v20+s25+$0x0], $0xffff;
	[tilespmem:s0+$0x0] =	vst v18  }
0x34: {  	s26 =	sadd.s32 $0x20, s26;
	v19 =	vadd.s32 s28, v1;
	v16 =	vcvt.s32.f32 v12;
	v12 =	vmovc v13;
	v18 =	vsub.f32 v5, v23;
	v5 =	vmovc v21;
	v15 =	vld.idx.msk [tilespmem:v22+s25+$0x0], $0xffff  }
0x35: {  	_ = 	snop  }
0x36: {  	v20 =	vor.u32 s28, v0  }
0x37: {  	v21 =	vor.u32 s2, v0  }
0x38: {  	vm0 =	vlt.s32 v19, $0x3FF;
	v22 =	vor.u32 s2, v1  }
0x39: {  	v13 =	vld.idx.msk [tilespmem:v13+s25+$0x0], $0xffff;
	v19 =	vnsel vm0, $0x3FF, v19  }
0x3a: {  	v14 =	vld.idx.msk [tilespmem:v14+s25+$0x0], $0xffff  }
0x3b: {  	v17 =	vmul.f32 v11, v17;
	v49 =	vld.idx.msk [tilespmem:v20+s25+$0x0], $0xffff  }
0x3c: {  	v9 =	vsub.f32 v9, v5;
	v7 =	vcvt.s32.f32 v7;
	v16 =	vadd.f32 v16, v4;
	v53 =	vld.idx.msk [tilespmem:v21+s25+$0x0], $0xffff  }
0x3d: {  	v12 =	vcvt.s32.f32 v12;
	v51 =	vmul.f32 v11, v3;
	[tilespmem:s3+$0xFFFFFFF0] =	vst v18;
	v8 =	vsub.f32 v8, v17;
	v54 =	vld.idx.msk [tilespmem:v22+s25+$0x0], $0xffff  }
0x3e: {  	v7 =	vadd.f32 v7, v4;
	v52 =	vmul.f32 v9, v16;
	v15 =	vsub.f32 v15, v6;
	v50 =	vld.idx.msk [tilespmem:v19+s25+$0x0], $0xffff  }
0x3f: {  	s30 =	sadd.s32 $0x20, s3;
	v55 =	vcvt.s32.f32 v20;
	v58 =	vcvt.s32.f32 v21;
	[tilespmem:s0+$0xFFFFFFF0] =	vst v10;
	v12 =	vadd.f32 v12, v4  }
0x40: {  	s31 =	sadd.s32 $0x20, s0;
	[tilespmem:s30+$0x0] =	vst v8;
	v14 =	vsub.f32 v14, v13;
	v5 =	vsub.f32 v5, v52;
	v7 =	vmul.f32 v15, v7  }
0x41: {  	v9 =	vmul.f32 v9, v3;
	v8 =	vadd.f32 v55, v4;
	v4 =	vadd.f32 v58, v4;
	[tilespmem:s31+$0x0] =	vst v51  }
0x42: {  	v57 =	vmul.f32 v14, v12;
	[tilespmem:s30+$0xFFFFFFF0] =	vst v5;
	v56 =	vsub.f32 v6, v7;
	v61 =	vsub.f32 v54, v53  }
0x43: {  	s2 =	sadd.s32 $0x20, s30;
	v59 =	vmul.f32 v15, v3;
	[tilespmem:s31+$0xFFFFFFF0] =	vst v9;
	v5 =	vsub.f32 v50, v49  }
0x44: {  	s0 =	sadd.s32 $0x20, s31;
	v7 =	vsub.f32 v13, v57;
	[tilespmem:s2+$0x0] =	vst v56;
	v4 =	vmul.f32 v61, v4  }
0x45: {  	v62 =	vmul.f32 v14, v3;
	[tilespmem:s0+$0x0] =	vst v59;
	v60 =	vmul.f32 v5, v8  }
0x46: {  	[tilespmem:s2+$0xFFFFFFF0] =	vst v7;
	v4 =	vsub.f32 v53, v4  }
0x47: {  	s2 =	sadd.s32 $0x20, s2;
	[tilespmem:s0+$0xFFFFFFF0] =	vst v62;
	v6 =	vsub.f32 v49, v60  }
0x48: {  	v63 =	vmul.f32 v61, v3;
	[tilespmem:s2+$0xFFFFFFF0] =	vst v4  }
0x49: {  	s0 =	sadd.s32 $0x20, s0;
	v5 =	vmul.f32 v5, v3;
	[tilespmem:s2+$0x0] =	vst v6  }
0x4a: {  	[tilespmem:s0+$0xFFFFFFF0] =	vst v63  }
0x4b: {  	[tilespmem:s0+$0x0] =	vst v5  }
.LBB2_4:
0x4c: {  	s28 =	sshll.u32 s25, $0x1  }
0x4d: {  	s0 =	sadd.s32 s6, s28  }
0x4e: {  	s2 =	sshll.u32 s25, $0x5;
	s0 =	sshll.u32 s0, $0xA  }
0x4f: {  	s30 =	sand.u32 $0x60, s2;
	s29 =	sand.u32 $0x3FE000, s0  }
0x50: {  	s0 =	sor.u32 s30, s29  }
0x51: {  	s26 =	sor.u32 $0x10, s0  }
0x52: {  	s0 =	sadd.s32 s1, s26  }
0x53: {  	[tilespmem:s19], [sflag:$0x2] =	stream.strided.gather [hbm4b:s0+s11], $0x2000, s12, s11, $0x38;
	[tilespmem:$0x8D00] =	vst v63  }
0x54: {  	_ =	swait.ge [sflag:s20], $0x2000  }
0x55: {  	p0 =	seq.s32 s25, $0x0;
	[sflag:s20] =	ssyncset.done $0x0  }
0x56: {  	s0 =	simm.s32 @!p0 $0x3;
	[sflag:s20] =	ssyncadd.s32 $0xFFFFE000  }
0x57: {  	_ =	swait.ge @!p0 [sflag:s0], $0x2000  }
0x58: {  	[sflag:s0] =	ssyncset.done @!p0 $0x0  }
0x59: {  	s2 =	simm.s32 $0xD20;
	[sflag:s0] =	ssyncadd.s32 @!p0 $0xFFFFE000  }
0x5a: {  	v8 =	vld [tilespmem:s2+$0x10];
	_ =	sdelay $0x1  }
0x5b: {  	v9 =	vld [tilespmem:s2+$0xFFFFFFE0];
	_ =	sdelay $0x1  }
0x5c: {  	v10 =	vld [tilespmem:s2+$0xFFFFFFF0]  }
0x5d: {  	s3 =	simm.s32 $0xD60;
	v4 =	vsub.f32 v8, v2  }
0x5e: {  	v19 =	vld [tilespmem:s3+$0xFFFFFFE0]  }
0x5f: {  	v14 =	vld [tilespmem:s2+$0x0];
	v5 =	vsub.f32 v9, v2;
	v4 =	vmul.f32 v4, v3;
	_ =	sdelay $0x1  }
0x60: {  	v6 =	vsub.f32 v10, v2;
	v5 =	vmul.f32 v5, v3;
	v4 =	vtrunc.f32 v4  }
0x61: {  	v11 =	vld [tilespmem:s3+$0x10];
	v4 =	vcvt.f32.s32 v4  }
0x62: {  	v17 =	vsub.f32 v19, v2;
	v6 =	vmul.f32 v6, v3;
	v5 =	vtrunc.f32 v5  }
0x63: {  	v7 =	vsub.f32 v14, v2;
	v12 =	vcvt.f32.s32 v5;
	vm0 =	vgt.s32 v4, $0x0  }
0x64: {  	v18 =	vld [tilespmem:s3+$0xFFFFFFF0];
	v17 =	vmul.f32 v17, v3;
	v6 =	vtrunc.f32 v6;
	v4 =	vnsel vm0, $0x0, v4  }
0x65: {  	v6 =	vcvt.f32.s32 v6;
	vm6 =	vgt.s32 v12, $0x0;
	v4 =	vmin.u32 v4, $0x3FE  }
0x66: {  	v13 =	vsub.f32 v11, v2;
	v17 =	vtrunc.f32 v17;
	v12 =	vnsel vm6, $0x0, v12  }
0x67: {  	v5 =	vmul.f32 v7, v3;
	vm1 =	vgt.s32 v6, $0x0;
	v12 =	vmin.u32 v12, $0x3FE  }
0x68: {  	v13 =	vmul.f32 v13, v3;
	v17 =	vcvt.f32.s32 v17;
	v6 =	vnsel vm1, $0x0, v6  }
0x69: {  	v7 =	vtrunc.f32 v5;
	v5 =	vld [tilespmem:s3+$0x0];
	v15 =	vmin.u32 v6, $0x3FE;
	v6 =	vsub.f32 v18, v2  }
0x6a: {  	vm10 =	vgt.s32 v17, $0x0;
	v7 =	vcvt.f32.s32 v7;
	v16 =	vld.idx.msk [tilespmem:v4+s21+$0x0], $0xffff  }
0x6b: {  	v13 =	vtrunc.f32 v13;
	v17 =	vnsel vm10, $0x0, v17;
	v6 =	vmul.f32 v6, v3;
	v21 =	vld.idx.msk [tilespmem:v4+s12+$0x0], $0xffff  }
0x6c: {  	s2 =	simm.s32 $0xDA0;
	v13 =	vcvt.f32.s32 v13;
	v27 =	vmin.u32 v17, $0x3FE;
	vm7 =	vgt.s32 v7, $0x0;
	v22 =	vld.idx.msk [tilespmem:v12+s21+$0x0], $0xffff  }
0x6d: {  	v6 =	vtrunc.f32 v6;
	v4 =	vnsel vm7, $0x0, v7;
	v7 =	vld [tilespmem:s2+$0x10]  }
0x6e: {  	vm8 =	vgt.s32 v13, $0x0;
	v20 =	vsub.f32 v5, v2;
	v24 =	vcvt.f32.s32 v6;
	v6 =	vld [tilespmem:s2+$0xFFFFFFF0]  }
0x6f: {  	v13 =	vnsel vm8, $0x0, v13;
	v12 =	vld.idx.msk [tilespmem:v12+s12+$0x0], $0xffff  }
0x70: {  	v13 =	vmin.u32 v13, $0x3FE;
	v28 =	vld.idx.msk [tilespmem:v15+s12+$0x0], $0xffff;
	v23 =	vmin.u32 v4, $0x3FE;
	v4 =	vmul.f32 v20, v3  }
0x71: {  	v63 =	vld.idx.msk [tilespmem:v27+s12+$0x0], $0xffff  }
0x72: {  	v25 =	vtrunc.f32 v4;
	v4 =	vld [tilespmem:s2+$0x0]  }
0x73: {  	v20 =	vld.idx.msk [tilespmem:v15+s21+$0x0], $0xffff;
	vm9 =	vgt.s32 v24, $0x0  }
0x74: {  	v24 =	vnsel vm9, $0x0, v24;
	v16 =	vmul.f32 v16, v8;
	v8 =	vld [tilespmem:s2+$0xFFFFFFE0]  }
0x75: {  	v25 =	vcvt.f32.s32 v25;
	v17 =	vsub.f32 v6, v2;
	v9 =	vmul.f32 v22, v9;
	v22 =	vld.idx.msk [tilespmem:v13+s21+$0x0], $0xffff  }
0x76: {  	v24 =	vmin.u32 v24, $0x3FE;
	v13 =	vld.idx.msk [tilespmem:v13+s12+$0x0], $0xffff;
	v21 =	vadd.f32 v16, v21;
	v16 =	vsub.f32 v7, v2  }
0x77: {  	v26 =	vld.idx.msk [tilespmem:v23+s21+$0x0], $0xffff;
	vm11 =	vgt.s32 v25, $0x0;
	v17 =	vmul.f32 v17, v3;
	v15 =	vsub.f32 v4, v2  }
0x78: {  	v20 =	vmul.f32 v20, v10;
	v29 =	vld.idx.msk [tilespmem:v23+s12+$0x0], $0xffff;
	v23 =	vnsel vm11, $0x0, v25;
	v16 =	vmul.f32 v16, v3  }
0x79: {  	s3 =	simm.s32 $0xDE0;
	v25 =	vld.idx.msk [tilespmem:v27+s21+$0x0], $0xffff;
	v17 =	vtrunc.f32 v17;
	v10 =	vsub.f32 v8, v2;
	v15 =	vmul.f32 v15, v3  }
0x7a: {  	v31 =	vadd.f32 v9, v12;
	v12 =	vld [tilespmem:s3+$0x10];
	v17 =	vcvt.f32.s32 v17;
	v16 =	vtrunc.f32 v16  }
0x7b: {  	s0 =	simm.s32 $0x4D20;
	v9 =	vld [tilespmem:s3+$0xFFFFFFF0];
	v23 =	vmin.u32 v23, $0x3FE;
	v10 =	vmul.f32 v10, v3;
	v16 =	vcvt.f32.s32 v16  }
0x7c: {  	[tilespmem:s0+$0xFFFFFFE0] =	vst v31;
	v31 =	vadd.f32 v20, v28;
	v22 =	vmul.f32 v22, v11;
	v27 =	vmul.f32 v26, v14  }
0x7d: {  	v30 =	vld.idx.msk [tilespmem:v24+s21+$0x0], $0xffff;
	v15 =	vtrunc.f32 v15;
	v10 =	vtrunc.f32 v10;
	vm12 =	vgt.s32 v16, $0x0  }
0x7e: {  	vm13 =	vgt.s32 v17, $0x0;
	v32 =	vcvt.f32.s32 v10;
	v16 =	vnsel vm12, $0x0, v16;
	v10 =	vld [tilespmem:s3+$0x0]  }
0x7f: {  	v11 =	vld [tilespmem:s3+$0xFFFFFFE0];
	v34 =	vadd.f32 v22, v13;
	v22 =	vsub.f32 v12, v2;
	v33 =	vmin.u32 v16, $0x3FE  }
0x80: {  	[tilespmem:s0+$0x10] =	vst v21;
	v21 =	vsub.f32 v9, v2;
	v16 =	vnsel vm13, $0x0, v17;
	vm14 =	vgt.s32 v32, $0x0  }
0x81: {  	v35 =	vmul.f32 v25, v19;
	v19 =	vld.idx.msk [tilespmem:v24+s12+$0x0], $0xffff;
	v17 =	vmin.u32 v16, $0x3FE;
	v13 =	vnsel vm14, $0x0, v32  }
0x82: {  	v15 =	vcvt.f32.s32 v15;
	v14 =	vld.idx.msk [tilespmem:v23+s12+$0x0], $0xffff;
	v25 =	vmul.f32 v22, v3;
	v13 =	vmin.u32 v13, $0x3FE  }
0x83: {  	v18 =	vmul.f32 v30, v18;
	v30 =	vmul.f32 v21, v3;
	v16 =	vld.idx.msk [tilespmem:v23+s21+$0x0], $0xffff;
	v24 =	vsub.f32 v10, v2  }
0x84: {  	vm15 =	vgt.s32 v15, $0x0;
	v26 =	vsub.f32 v11, v2;
	v21 =	vtrunc.f32 v25;
	v22 =	vld.idx.msk [tilespmem:v33+s21+$0x0], $0xffff  }
0x85: {  	v25 =	vadd.f32 v27, v29;
	v29 =	vtrunc.f32 v30;
	v23 =	vld.idx.msk [tilespmem:v33+s12+$0x0], $0xffff;
	v24 =	vmul.f32 v24, v3  }
0x86: {  	s31 =	simm.s32 $0x4D60;
	[tilespmem:s0+$0xFFFFFFF0] =	vst v31;
	v15 =	vnsel vm15, $0x0, v15;
	v28 =	vmul.f32 v26, v3;
	v26 =	vcvt.f32.s32 v21;
	v20 =	vld.idx.msk [tilespmem:v17+s21+$0x0], $0xffff  }
0x87: {  	s2 =	simm.s32 $0xE20;
	[tilespmem:s31+$0x10] =	vst v34;
	s3 =	simm.s32 $0xC0;
	v15 =	vmin.u32 v15, $0x3FE;
	v21 =	vld.idx.msk [tilespmem:v13+s21+$0x0], $0xffff;
	v27 =	vtrunc.f32 v24;
	v24 =	vadd.f32 v35, v63  }
.LBB2_5:
0x88: {  	v28 =	vtrunc.f32 v28;
	v29 =	vcvt.f32.s32 v29;
	vm0 =	vgt.s32 v26, $0x0;
	v31 =	vmovc v4;
	v4 =	vmovc v10  }
0x89: {  	v30 =	vld [tilespmem:s2+$0x10];
	s3 =	sadd.s32 $0x40, s3;
	[tilespmem:s0+$0x0] =	vst v25;
	v25 =	vmovc v11;
	v32 =	vmovc v17;
	v33 =	vmov v16;
	v34 =	vmov v15;
	v35 =	vmov v19;
	s0 =	smov.u32 s31  }
0x8a: {  	v17 =	vmul.f32 v22, v7;
	v7 =	vmovc v12;
	v36 =	vld [tilespmem:s2+$0xFFFFFFF0];
	p1 =	slt.u32 s3, $0x1FC0;
	v16 =	vcvt.f32.s32 v28;
	v11 =	vnsel vm0, $0x0, v26;
	[tilespmem:s31+$0xFFFFFFE0] =	vst v24;
	v24 =	vmovc v18  }
0x8b: {  	v22 =	vcvt.f32.s32 v27;
	v27 =	vmovc v14;
	v10 =	vld [tilespmem:s2+$0x0];
	vm0 =	vgt.s32 v29, $0x0;
	v26 =	vmin.u32 v11, $0x3FE  }
0x8c: {  	v18 =	vadd.f32 v17, v23;
	v11 =	vld [tilespmem:s2+$0xFFFFFFE0];
	vm1 =	vgt.s32 v16, $0x0;
	v14 =	vnsel vm0, $0x0, v29  }
0x8d: {  	s31 =	sadd.s32 $0x40, s31;
	vm0 =	vgt.s32 v22, $0x0;
	v19 =	vnsel vm1, $0x0, v16;
	v17 =	vmin.u32 v14, $0x3FE;
	v16 =	vld.idx.msk [tilespmem:v15+s21+$0x0], $0xffff  }
0x8e: {  	v15 =	vnsel vm0, $0x0, v22;
	v14 =	vsub.f32 v30, v2;
	v37 =	vld.idx.msk [tilespmem:v13+s12+$0x0], $0xffff;
	v13 =	vmin.u32 v19, $0x3FE;
	[tilespmem:s31+$0x10] =	vst v18;
	v12 =	vmovc v30  }
0x8f: {  	v15 =	vmin.u32 v15, $0x3FE;
	v30 =	vmul.f32 v21, v8;
	v8 =	vmovc v25;
	v23 =	vsub.f32 v36, v2;
	v19 =	vld.idx.msk [tilespmem:v32+s12+$0x0], $0xffff  }
.Ltmp1:
0x90: {  	v18 =	vmul.f32 v20, v6;
	v21 =	vsub.f32 v10, v2;
	v25 =	vmul.f32 v14, v3;
	v22 =	vld.idx.msk [tilespmem:v26+s21+$0x0], $0xffff;
	(pc) =	sbr.rel @p1 .LBB2_5-.Ltmp1, $4  }
0x91: {  	v20 =	vsub.f32 v11, v2;
	v29 =	vmul.f32 v23, v3;
	v14 =	vld.idx.msk [tilespmem:v34+s12+$0x0], $0xffff;
	v34 =	vmul.f32 v33, v5  }
0x92: {  	v6 =	vmovc v9;
	v33 =	vadd.f32 v24, v35;
	v32 =	vmul.f32 v21, v3;
	v21 =	vtrunc.f32 v25;
	v23 =	vld.idx.msk [tilespmem:v26+s12+$0x0], $0xffff  }
0x93: {  	v9 =	vmovc v36;
	v28 =	vmul.f32 v20, v3;
	v26 =	vcvt.f32.s32 v21;
	v21 =	vld.idx.msk [tilespmem:v13+s21+$0x0], $0xffff;
	v25 =	vadd.f32 v34, v27  }
0x94: {  	s2 =	sadd.s32 $0x40, s2;
	v5 =	vmovc v31;
	v29 =	vtrunc.f32 v29;
	v24 =	vadd.f32 v30, v37;
	v27 =	vtrunc.f32 v32;
	v20 =	vld.idx.msk [tilespmem:v17+s21+$0x0], $0xffff;
	[tilespmem:s0+$0xFFFFFFF0] =	vst v33  }
0x95: {  	_ = 	snop  }
0x96: {  	v28 =	vtrunc.f32 v28;
	vm0 =	vgt.s32 v26, $0x0;
	v29 =	vcvt.f32.s32 v29  }
0x97: {  	v28 =	vcvt.f32.s32 v28;
	v26 =	vnsel vm0, $0x0, v26  }
0x98: {  	v27 =	vcvt.f32.s32 v27;
	v26 =	vmin.u32 v26, $0x3FE;
	vm1 =	vgt.s32 v29, $0x0  }
0x99: {  	v30 =	vld.idx.msk [tilespmem:v15+s21+$0x0], $0xffff;
	vm14 =	vgt.s32 v28, $0x0;
	v29 =	vnsel vm1, $0x0, v29  }
0x9a: {  	v13 =	vld.idx.msk [tilespmem:v13+s12+$0x0], $0xffff;
	vm15 =	vgt.s32 v27, $0x0;
	v28 =	vnsel vm14, $0x0, v28;
	v29 =	vmin.u32 v29, $0x3FE  }
0x9b: {  	v17 =	vld.idx.msk [tilespmem:v17+s12+$0x0], $0xffff;
	v27 =	vnsel vm15, $0x0, v27;
	v28 =	vmin.u32 v28, $0x3FE  }
0x9c: {  	v53 =	vld.idx.msk [tilespmem:v15+s12+$0x0], $0xffff;
	v27 =	vmin.u32 v27, $0x3FE  }
0x9d: {  	v31 =	vld.idx.msk [tilespmem:v26+s21+$0x0], $0xffff  }
0x9e: {  	v54 =	vld.idx.msk [tilespmem:v26+s12+$0x0], $0xffff  }
0x9f: {  	v7 =	vmul.f32 v22, v7;
	v56 =	vld.idx.msk [tilespmem:v29+s21+$0x0], $0xffff  }
0xa0: {  	[tilespmem:s0+$0x0] =	vst v25;
	v5 =	vmul.f32 v16, v5;
	v18 =	vadd.f32 v18, v19;
	v55 =	vld.idx.msk [tilespmem:v28+s21+$0x0], $0xffff  }
0xa1: {  	[tilespmem:s31+$0xFFFFFFE0] =	vst v24;
	v7 =	vadd.f32 v7, v23;
	v8 =	vmul.f32 v21, v8;
	v57 =	vld.idx.msk [tilespmem:v27+s21+$0x0], $0xffff  }
0xa2: {  	s3 =	sadd.s32 $0x40, s31;
	v5 =	vadd.f32 v5, v14;
	[tilespmem:s31+$0xFFFFFFF0] =	vst v18;
	v59 =	vld.idx.msk [tilespmem:v28+s12+$0x0], $0xffff;
	v58 =	vmul.f32 v31, v12  }
0xa3: {  	[tilespmem:s3+$0x10] =	vst v7;
	v6 =	vmul.f32 v20, v6;
	v8 =	vadd.f32 v8, v13;
	v60 =	vld.idx.msk [tilespmem:v29+s12+$0x0], $0xffff  }
0xa4: {  	[tilespmem:s31+$0x0] =	vst v5;
	v4 =	vmul.f32 v30, v4;
	v61 =	vld.idx.msk [tilespmem:v27+s12+$0x0], $0xffff;
	v5 =	vadd.f32 v58, v54  }
0xa5: {  	s2 =	sadd.s32 $0x40, s3;
	v6 =	vadd.f32 v6, v17;
	[tilespmem:s3+$0xFFFFFFE0] =	vst v8;
	v62 =	vmul.f32 v55, v11  }
0xa6: {  	v4 =	vadd.f32 v4, v53;
	[tilespmem:s2+$0x10] =	vst v5;
	v5 =	vmul.f32 v56, v9  }
0xa7: {  	p1 =	sne.s32 s25, $0x3F;
	[tilespmem:s3+$0xFFFFFFF0] =	vst v6;
	v63 =	vmul.f32 v57, v10;
	v8 =	vadd.f32 v62, v59  }
.Ltmp2:
0xa8: {  	[tilespmem:s3+$0x0] =	vst v4;
	v4 =	vadd.f32 v5, v60;
	(pc) =	sbr.rel @p1 .LBB2_8-.Ltmp2, $4  }
0xa9: {  	v5 =	vadd.f32 v63, v61;
	[tilespmem:s2+$0xFFFFFFE0] =	vst v8  }
0xaa: {  	s31 =	sadd.s32 s4, s30;
	[tilespmem:s2+$0xFFFFFFF0] =	vst v4  }
0xab: {  	s0 =	sadd.s32 s29, s31;
	[tilespmem:s2+$0x0] =	vst v5  }
0xac: {  	[hbm4b:s0+s11] =	stream.strided.scatter [tilespmem:s22], [sflag:$0x3], $0x2000, s12, s11, $0x38;
	[tilespmem:$0x8D00] =	vst v63  }
.Ltmp3:
0xad: {  	(pc) =	sbr.rel .LBB2_9-.Ltmp3, $4  }
0xae: {  	_ = 	snop  }
0xaf: {  	_ =	swait.ge [sflag:s18], $0x2000  }
0xb0: {  	[sflag:s18] =	ssyncset.done $0x0  }
0xb1: {  	[sflag:s18] =	ssyncadd.s32 $0xFFFFE000  }
.LBB2_8:
0xb2: {  	s0 =	sadd.s32 $0x2, s28  }
0xb3: {  	s2 =	sadd.s32 s6, s0;
	s0 =	sshll.u32 s0, $0x4  }
0xb4: {  	s2 =	sshll.u32 s2, $0xA;
	s0 =	sand.u32 $0x60, s0  }
0xb5: {  	s2 =	sand.u32 $0x7FE000, s2;
	s0 =	sadd.s32 s1, s0  }
.Ltmp4:
0xb6: {  	s0 =	sadd.s32 s2, s0;
	(pc) =	sbr.rel @p0 .LBB2_10-.Ltmp4, $4  }
0xb7: {  	[tilespmem:s13], [sflag:$0x1] =	stream.strided.gather [hbm4b:s0+s11], $0x2000, s12, s11, $0x38;
	[tilespmem:$0x8D00] =	vst v63  }
0xb8: {  	_ =	swait.ge [sflag:s18], $0x2000  }
0xb9: {  	[sflag:s18] =	ssyncset.done $0x0  }
0xba: {  	[sflag:s18] =	ssyncadd.s32 $0xFFFFE000  }
.LBB2_9:
0xbb: {  	_ =	swait.ge [sflag:s17], $0x2000  }
0xbc: {  	[sflag:s17] =	ssyncset.done $0x0  }
0xbd: {  	[sflag:s17] =	ssyncadd.s32 $0xFFFFE000  }
.LBB2_10:
0xbe: {  	s0 =	simm.s32 $0x2D20  }
0xbf: {  	v8 =	vld [tilespmem:s0+$0x10];
	_ =	sdelay $0x1  }
0xc0: {  	v9 =	vld [tilespmem:s0+$0xFFFFFFE0];
	_ =	sdelay $0x1  }
0xc1: {  	v10 =	vld [tilespmem:s0+$0xFFFFFFF0]  }
0xc2: {  	s3 =	simm.s32 $0x2D60;
	v14 =	vld [tilespmem:s0+$0x0];
	v4 =	vsub.f32 v8, v2  }
0xc3: {  	v11 =	vld [tilespmem:s3+$0x10]  }
0xc4: {  	v19 =	vld [tilespmem:s3+$0xFFFFFFE0];
	v5 =	vsub.f32 v9, v2;
	v4 =	vmul.f32 v4, v3;
	_ =	sdelay $0x1  }
0xc5: {  	v6 =	vsub.f32 v10, v2;
	v5 =	vmul.f32 v5, v3;
	v4 =	vtrunc.f32 v4  }
0xc6: {  	v7 =	vsub.f32 v14, v2;
	v4 =	vcvt.f32.s32 v4  }
0xc7: {  	v13 =	vsub.f32 v11, v2;
	v6 =	vmul.f32 v6, v3;
	v5 =	vtrunc.f32 v5  }
0xc8: {  	v17 =	vsub.f32 v19, v2;
	v12 =	vcvt.f32.s32 v5;
	vm0 =	vgt.s32 v4, $0x0  }
0xc9: {  	v18 =	vld [tilespmem:s3+$0xFFFFFFF0];
	v13 =	vmul.f32 v13, v3;
	v6 =	vtrunc.f32 v6;
	v4 =	vnsel vm0, $0x0, v4  }
0xca: {  	v6 =	vcvt.f32.s32 v6;
	vm6 =	vgt.s32 v12, $0x0;
	v4 =	vmin.u32 v4, $0x3FE  }
0xcb: {  	v17 =	vmul.f32 v17, v3;
	v13 =	vtrunc.f32 v13;
	v12 =	vnsel vm6, $0x0, v12  }
0xcc: {  	v5 =	vmul.f32 v7, v3;
	vm1 =	vgt.s32 v6, $0x0;
	v12 =	vmin.u32 v12, $0x3FE  }
0xcd: {  	v17 =	vtrunc.f32 v17;
	v13 =	vcvt.f32.s32 v13;
	v6 =	vnsel vm1, $0x0, v6  }
0xce: {  	v7 =	vtrunc.f32 v5;
	v5 =	vld [tilespmem:s3+$0x0];
	v15 =	vmin.u32 v6, $0x3FE;
	v6 =	vsub.f32 v18, v2  }
0xcf: {  	v17 =	vcvt.f32.s32 v17;
	v7 =	vcvt.f32.s32 v7;
	v16 =	vld.idx.msk [tilespmem:v4+s21+$0x0], $0xffff  }
0xd0: {  	v6 =	vmul.f32 v6, v3;
	v21 =	vld.idx.msk [tilespmem:v4+s12+$0x0], $0xffff  }
0xd1: {  	s30 =	simm.s32 $0x2DA0;
	vm8 =	vgt.s32 v13, $0x0;
	vm10 =	vgt.s32 v17, $0x0;
	vm7 =	vgt.s32 v7, $0x0;
	v22 =	vld.idx.msk [tilespmem:v12+s21+$0x0], $0xffff  }
0xd2: {  	v17 =	vnsel vm10, $0x0, v17;
	v6 =	vtrunc.f32 v6;
	v4 =	vnsel vm7, $0x0, v7;
	v7 =	vld [tilespmem:s30+$0x10]  }
0xd3: {  	v27 =	vmin.u32 v17, $0x3FE;
	v20 =	vsub.f32 v5, v2;
	v24 =	vcvt.f32.s32 v6;
	v6 =	vld [tilespmem:s30+$0xFFFFFFF0]  }
0xd4: {  	v13 =	vnsel vm8, $0x0, v13;
	v12 =	vld.idx.msk [tilespmem:v12+s12+$0x0], $0xffff  }
0xd5: {  	v13 =	vmin.u32 v13, $0x3FE;
	v28 =	vld.idx.msk [tilespmem:v15+s12+$0x0], $0xffff;
	v23 =	vmin.u32 v4, $0x3FE;
	v4 =	vmul.f32 v20, v3  }
0xd6: {  	v20 =	vld.idx.msk [tilespmem:v15+s21+$0x0], $0xffff  }
0xd7: {  	v25 =	vtrunc.f32 v4;
	v4 =	vld [tilespmem:s30+$0x0]  }
0xd8: {  	v63 =	vld.idx.msk [tilespmem:v27+s12+$0x0], $0xffff  }
0xd9: {  	vm9 =	vgt.s32 v24, $0x0;
	v16 =	vmul.f32 v16, v8;
	v8 =	vld [tilespmem:s30+$0xFFFFFFE0];
	v17 =	vsub.f32 v6, v2  }
0xda: {  	v24 =	vnsel vm9, $0x0, v24;
	v25 =	vcvt.f32.s32 v25;
	v9 =	vmul.f32 v22, v9;
	v22 =	vld.idx.msk [tilespmem:v13+s21+$0x0], $0xffff  }
0xdb: {  	v13 =	vld.idx.msk [tilespmem:v13+s12+$0x0], $0xffff;
	v21 =	vadd.f32 v16, v21;
	v16 =	vsub.f32 v7, v2;
	v17 =	vmul.f32 v17, v3  }
0xdc: {  	v24 =	vmin.u32 v24, $0x3FE;
	v26 =	vld.idx.msk [tilespmem:v23+s21+$0x0], $0xffff;
	v20 =	vmul.f32 v20, v10;
	v15 =	vsub.f32 v4, v2  }
0xdd: {  	s31 =	simm.s32 $0x2DE0;
	v29 =	vld.idx.msk [tilespmem:v23+s12+$0x0], $0xffff;
	v31 =	vadd.f32 v9, v12;
	v16 =	vmul.f32 v16, v3;
	v17 =	vtrunc.f32 v17  }
0xde: {  	v12 =	vld [tilespmem:s31+$0x10];
	v10 =	vsub.f32 v8, v2;
	v15 =	vmul.f32 v15, v3;
	v17 =	vcvt.f32.s32 v17  }
0xdf: {  	vm11 =	vgt.s32 v25, $0x0;
	v9 =	vld [tilespmem:s31+$0xFFFFFFF0];
	v22 =	vmul.f32 v22, v11;
	v16 =	vtrunc.f32 v16  }
0xe0: {  	v23 =	vnsel vm11, $0x0, v25;
	v25 =	vld.idx.msk [tilespmem:v27+s21+$0x0], $0xffff;
	v10 =	vmul.f32 v10, v3;
	v16 =	vcvt.f32.s32 v16  }
0xe1: {  	v23 =	vmin.u32 v23, $0x3FE;
	v30 =	vld.idx.msk [tilespmem:v24+s21+$0x0], $0xffff;
	v27 =	vmul.f32 v26, v14;
	v15 =	vtrunc.f32 v15  }
0xe2: {  	v11 =	vld [tilespmem:s31+$0xFFFFFFE0];
	vm13 =	vgt.s32 v17, $0x0;
	v10 =	vtrunc.f32 v10;
	vm12 =	vgt.s32 v16, $0x0  }
0xe3: {  	s29 =	simm.s32 $0x6D20;
	v34 =	vadd.f32 v22, v13;
	v32 =	vcvt.f32.s32 v10;
	v16 =	vnsel vm12, $0x0, v16;
	v10 =	vld [tilespmem:s31+$0x0]  }
0xe4: {  	[tilespmem:s29+$0x10] =	vst v21;
	v22 =	vsub.f32 v12, v2;
	v21 =	vsub.f32 v9, v2;
	v33 =	vmin.u32 v16, $0x3FE  }
0xe5: {  	v35 =	vmul.f32 v25, v19;
	v16 =	vnsel vm13, $0x0, v17;
	vm14 =	vgt.s32 v32, $0x0  }
0xe6: {  	v19 =	vld.idx.msk [tilespmem:v24+s12+$0x0], $0xffff;
	v15 =	vcvt.f32.s32 v15;
	v17 =	vmin.u32 v16, $0x3FE;
	v13 =	vnsel vm14, $0x0, v32  }
0xe7: {  	v14 =	vld.idx.msk [tilespmem:v23+s12+$0x0], $0xffff;
	v25 =	vmul.f32 v22, v3;
	v18 =	vmul.f32 v30, v18;
	v13 =	vmin.u32 v13, $0x3FE  }
0xe8: {  	v21 =	vmul.f32 v21, v3;
	v26 =	vsub.f32 v11, v2;
	v16 =	vld.idx.msk [tilespmem:v23+s21+$0x0], $0xffff;
	v24 =	vsub.f32 v10, v2  }
0xe9: {  	v30 =	vadd.f32 v20, v28;
	vm15 =	vgt.s32 v15, $0x0;
	v25 =	vtrunc.f32 v25;
	v22 =	vld.idx.msk [tilespmem:v33+s21+$0x0], $0xffff  }
0xea: {  	s28 =	simm.s32 $0x6D60;
	[tilespmem:s29+$0xFFFFFFE0] =	vst v31;
	v15 =	vnsel vm15, $0x0, v15;
	v28 =	vmul.f32 v26, v3;
	v23 =	vld.idx.msk [tilespmem:v33+s12+$0x0], $0xffff;
	v24 =	vmul.f32 v24, v3  }
0xeb: {  	[tilespmem:s28+$0x10] =	vst v34;
	v26 =	vcvt.f32.s32 v25;
	v25 =	vadd.f32 v27, v29;
	v29 =	vtrunc.f32 v21;
	v21 =	vld.idx.msk [tilespmem:v17+s21+$0x0], $0xffff  }
0xec: {  	s25 =	sadd.s32 $0x1, s25;
	s2 =	simm.s32 $0x2E20;
	s0 =	simm.s32 $0xC0;
	[tilespmem:s29+$0xFFFFFFF0] =	vst v30;
	v15 =	vmin.u32 v15, $0x3FE;
	v20 =	vld.idx.msk [tilespmem:v13+s21+$0x0], $0xffff;
	v27 =	vtrunc.f32 v24;
	v24 =	vadd.f32 v35, v63  }
.LBB2_11:
0xed: {  	v28 =	vtrunc.f32 v28;
	v29 =	vcvt.f32.s32 v29;
	vm0 =	vgt.s32 v26, $0x0;
	v31 =	vmovc v4;
	v4 =	vmovc v10  }
0xee: {  	v30 =	vld [tilespmem:s2+$0x10];
	s0 =	sadd.s32 $0x40, s0;
	[tilespmem:s29+$0x0] =	vst v25;
	v25 =	vmovc v11;
	v32 =	vmovc v17;
	v33 =	vmov v16;
	v34 =	vmov v15;
	v35 =	vmov v19;
	s29 =	smov.u32 s28  }
0xef: {  	v17 =	vmul.f32 v22, v7;
	v7 =	vmovc v12;
	v36 =	vld [tilespmem:s2+$0xFFFFFFF0];
	p0 =	slt.u32 s0, $0x1FC0;
	v16 =	vcvt.f32.s32 v28;
	v11 =	vnsel vm0, $0x0, v26;
	[tilespmem:s28+$0xFFFFFFE0] =	vst v24;
	v24 =	vmovc v18  }
0xf0: {  	v22 =	vcvt.f32.s32 v27;
	v27 =	vmovc v14;
	v10 =	vld [tilespmem:s2+$0x0];
	vm0 =	vgt.s32 v29, $0x0;
	v26 =	vmin.u32 v11, $0x3FE  }
0xf1: {  	v18 =	vadd.f32 v17, v23;
	v11 =	vld [tilespmem:s2+$0xFFFFFFE0];
	vm1 =	vgt.s32 v16, $0x0;
	v14 =	vnsel vm0, $0x0, v29  }
0xf2: {  	s28 =	sadd.s32 $0x40, s28;
	vm0 =	vgt.s32 v22, $0x0;
	v19 =	vnsel vm1, $0x0, v16;
	v17 =	vmin.u32 v14, $0x3FE;
	v16 =	vld.idx.msk [tilespmem:v15+s21+$0x0], $0xffff  }
0xf3: {  	v15 =	vnsel vm0, $0x0, v22;
	v14 =	vsub.f32 v30, v2;
	v37 =	vld.idx.msk [tilespmem:v13+s12+$0x0], $0xffff;
	v13 =	vmin.u32 v19, $0x3FE;
	[tilespmem:s28+$0x10] =	vst v18;
	v12 =	vmovc v30  }
0xf4: {  	v15 =	vmin.u32 v15, $0x3FE;
	v30 =	vmul.f32 v20, v8;
	v8 =	vmovc v25;
	v23 =	vsub.f32 v36, v2;
	v19 =	vld.idx.msk [tilespmem:v32+s12+$0x0], $0xffff  }
.Ltmp5:
0xf5: {  	v18 =	vmul.f32 v21, v6;
	v20 =	vsub.f32 v10, v2;
	v25 =	vmul.f32 v14, v3;
	v22 =	vld.idx.msk [tilespmem:v26+s21+$0x0], $0xffff;
	(pc) =	sbr.rel @p0 .LBB2_11-.Ltmp5, $4  }
0xf6: {  	v21 =	vsub.f32 v11, v2;
	v29 =	vmul.f32 v23, v3;
	v14 =	vld.idx.msk [tilespmem:v34+s12+$0x0], $0xffff;
	v34 =	vmul.f32 v33, v5  }
0xf7: {  	v6 =	vmovc v9;
	v33 =	vadd.f32 v24, v35;
	v32 =	vmul.f32 v20, v3;
	v20 =	vtrunc.f32 v25;
	v23 =	vld.idx.msk [tilespmem:v26+s12+$0x0], $0xffff  }
0xf8: {  	v9 =	vmovc v36;
	v28 =	vmul.f32 v21, v3;
	v26 =	vcvt.f32.s32 v20;
	v20 =	vld.idx.msk [tilespmem:v13+s21+$0x0], $0xffff;
	v25 =	vadd.f32 v34, v27  }
0xf9: {  	s2 =	sadd.s32 $0x40, s2;
	v5 =	vmovc v31;
	v29 =	vtrunc.f32 v29;
	v24 =	vadd.f32 v30, v37;
	v27 =	vtrunc.f32 v32;
	v21 =	vld.idx.msk [tilespmem:v17+s21+$0x0], $0xffff;
	[tilespmem:s29+$0xFFFFFFF0] =	vst v33  }
0xfa: {  	_ = 	snop  }
0xfb: {  	v28 =	vtrunc.f32 v28;
	vm0 =	vgt.s32 v26, $0x0;
	v29 =	vcvt.f32.s32 v29  }
0xfc: {  	v28 =	vcvt.f32.s32 v28;
	v26 =	vnsel vm0, $0x0, v26  }
0xfd: {  	v27 =	vcvt.f32.s32 v27;
	v26 =	vmin.u32 v26, $0x3FE;
	vm1 =	vgt.s32 v29, $0x0  }
0xfe: {  	v30 =	vld.idx.msk [tilespmem:v15+s21+$0x0], $0xffff;
	vm14 =	vgt.s32 v28, $0x0;
	v29 =	vnsel vm1, $0x0, v29  }
0xff: {  	v13 =	vld.idx.msk [tilespmem:v13+s12+$0x0], $0xffff;
	vm15 =	vgt.s32 v27, $0x0;
	v28 =	vnsel vm14, $0x0, v28;
	v29 =	vmin.u32 v29, $0x3FE  }
0x100: {  	v17 =	vld.idx.msk [tilespmem:v17+s12+$0x0], $0xffff;
	v27 =	vnsel vm15, $0x0, v27;
	v28 =	vmin.u32 v28, $0x3FE  }
0x101: {  	v53 =	vld.idx.msk [tilespmem:v15+s12+$0x0], $0xffff;
	v27 =	vmin.u32 v27, $0x3FE  }
0x102: {  	v31 =	vld.idx.msk [tilespmem:v26+s21+$0x0], $0xffff  }
0x103: {  	v54 =	vld.idx.msk [tilespmem:v26+s12+$0x0], $0xffff  }
0x104: {  	v7 =	vmul.f32 v22, v7;
	v56 =	vld.idx.msk [tilespmem:v29+s21+$0x0], $0xffff  }
0x105: {  	[tilespmem:s29+$0x0] =	vst v25;
	v5 =	vmul.f32 v16, v5;
	v18 =	vadd.f32 v18, v19;
	v55 =	vld.idx.msk [tilespmem:v28+s21+$0x0], $0xffff  }
0x106: {  	[tilespmem:s28+$0xFFFFFFE0] =	vst v24;
	v7 =	vadd.f32 v7, v23;
	v8 =	vmul.f32 v20, v8;
	v57 =	vld.idx.msk [tilespmem:v27+s21+$0x0], $0xffff  }
0x107: {  	s0 =	sadd.s32 $0x40, s28;
	v5 =	vadd.f32 v5, v14;
	[tilespmem:s28+$0xFFFFFFF0] =	vst v18;
	v59 =	vld.idx.msk [tilespmem:v28+s12+$0x0], $0xffff;
	v58 =	vmul.f32 v31, v12  }
0x108: {  	[tilespmem:s0+$0x10] =	vst v7;
	v6 =	vmul.f32 v21, v6;
	v8 =	vadd.f32 v8, v13;
	v60 =	vld.idx.msk [tilespmem:v29+s12+$0x0], $0xffff  }
0x109: {  	[tilespmem:s28+$0x0] =	vst v5;
	v4 =	vmul.f32 v30, v4;
	v61 =	vld.idx.msk [tilespmem:v27+s12+$0x0], $0xffff;
	v5 =	vadd.f32 v58, v54  }
0x10a: {  	s2 =	sadd.s32 $0x40, s0;
	v6 =	vadd.f32 v6, v17;
	[tilespmem:s0+$0xFFFFFFE0] =	vst v8;
	v62 =	vmul.f32 v55, v11  }
0x10b: {  	v4 =	vadd.f32 v4, v53;
	[tilespmem:s2+$0x10] =	vst v5;
	v5 =	vmul.f32 v56, v9  }
0x10c: {  	p0 =	sne.s32 s25, $0x40;
	[tilespmem:s0+$0xFFFFFFF0] =	vst v6;
	v63 =	vmul.f32 v57, v10;
	v8 =	vadd.f32 v62, v59  }
.Ltmp6:
0x10d: {  	[tilespmem:s0+$0x0] =	vst v4;
	v4 =	vadd.f32 v5, v60;
	(pc) =	sbr.rel @p0 .LBB2_4-.Ltmp6, $4  }
0x10e: {  	v5 =	vadd.f32 v63, v61;
	[tilespmem:s2+$0xFFFFFFE0] =	vst v8  }
0x10f: {  	[tilespmem:s2+$0xFFFFFFF0] =	vst v4  }
0x110: {  	s31 =	sadd.s32 s4, s26;
	[tilespmem:s2+$0x0] =	vst v5  }
0x111: {  	[hbm4b:s31+s11] =	stream.strided.scatter [tilespmem:s23], [sflag:$0x4], $0x2000, s12, s11, $0x38;
	[tilespmem:$0x8D00] =	vst v63  }
0x112: {  	s24 =	sadd.s32 $0x1, s24  }
0x113: {  	_ =	swait.ge [sflag:s16], $0x2000;
	p0 =	sne.s32 s24, s10  }
.Ltmp7:
0x114: {  	[sflag:s16] =	ssyncset.done $0x0;
	(pc) =	sbr.rel @p0 .LBB2_1-.Ltmp7, $4  }
0x115: {  	[sflag:s16] =	ssyncadd.s32 $0xFFFFE000  }
0x116: {  	_ =	swait.ge [sflag:s17], $0x2000  }
0x117: {  	[sflag:s17] =	ssyncset.done $0x0  }
0x118: {  	[sflag:s17] =	ssyncadd.s32 $0xFFFFE000  }
0x119: {  	_ =	sfence.sel $0x180000  }
0x11a: {  	[bflag:$0x0] =	sbarrier.arrive $0xFFFF  }
0x11b: {  	_ =	strace $0x90000047  }
0x11c: {  	s0 =	stileid.u32;
	[bflag:$0x2] =	sbarrier.arrive $0xFFFF  }
0x11d: {  	p0 =	sne.s32 s0, $0x0;
	s0 =	rddreg [dreg:$0x4]  }
0x11e: {  	s0 =	sadd.s32 @!p0 $0x100000, s0  }
0x11f: {  	[sflag:s0] =	ssyncadd.tile.s32 @!p0 $0x1;
	_ =	shalt  }
.Lfunc_end2:
_tile_overlayer_lowered:
.L_overlay_start_2:
0x120: {  	(tag) =	ssettag $0x2  }
0x121: {  	s0 =	rddreg [dreg:$0x0];
	s2 =	stileid.u32  }
0x122: {  	s1 =	rddreg [dreg:$0x1];
	p0 =	sne.s32 s2, $0x0  }
0x123: {  	s3 =	rddreg [dreg:$0x2];
	[bflag:$0x3] =	sbarrier.arrive $0xFFFF;
	s2 =	simm.s32 @!p0 $0x1C05  }
0x124: {  	[timem:s3], [sflag:s2] =	dma.local @!p0 [hbm:s0], s1  }
0x125: {  	s0 =	simm.s32 @!p0 $0x5  }
0x126: {  	_ =	swait.ge @!p0 [sflag:s0], s1  }
0x127: {  	s1 =	ssub.s32 @!p0 $0x0, s1;
	[sflag:s0] =	ssyncset.done @!p0 $0x0  }
0x128: {  	[sflag:s0] =	ssyncadd.s32 @!p0 s1  }
0x129: {  	[bflag:$0x3] =	sbarrier.arrive $0xFFFF  }
0x12a: {  	_ =	shalt  }

</sc_bundles>
